<compile_context>
chip_gen: v7x
topology: tpu7x:2x2x1
jax: 0.10.2.dev20260603
libtpu: 0.0.44.dev20260713+nightly
codegen_flags: <defaults>
</compile_context>

<pallas_src>
import functools

import jax
import jax.numpy as jnp
from jax import lax
from jax.experimental import pallas as pl
from jax.experimental.pallas import tpu as pltpu
from jax.experimental.pallas import tpu_sc as plsc

N = 10000
E = 320000
D = 128
G = 64
RATIO = 0.3

NC = 2
NS = 16
NW = NC * NS
NP = 10240
E_PER_W = E // NW
CH = 80
NCH = E_PER_W // CH
RZ = NP // NS
DW = 16


def _sc_body(with_deg, y_hbm, src_hbm, dst_hbm, z_hbm, *rest):
    if with_deg:
        (zd_hbm, ones_hbm, out_hbm, deg_hbm,
         src_v, dst_v, rows0, ones_v, acc, dacc, sem0) = rest
    else:
        (out_hbm, src_v, dst_v, rows0, acc, sem0) = rest
    c = lax.axis_index("c")
    s = lax.axis_index("s")
    wid = c * NS + s

    pltpu.sync_copy(z_hbm.at[pl.ds(s * RZ, RZ)], acc.at[pl.ds(s * RZ, RZ)])
    if with_deg:
        pltpu.sync_copy(zd_hbm.at[pl.ds(s * RZ, RZ)], dacc.at[pl.ds(s * RZ, RZ)])
        pltpu.sync_copy(ones_hbm, ones_v)
    pltpu.sync_copy(src_hbm.at[wid], src_v)
    pltpu.sync_copy(dst_hbm.at[wid], dst_v)
    plsc.subcore_barrier()

    def chunk(j, carry):
        pltpu.async_copy(y_hbm.at[src_v.at[j]], rows0, sem0).wait()
        pltpu.sync_copy(rows0, acc.at[dst_v.at[j]], add=True)
        if with_deg:
            pltpu.sync_copy(ones_v, dacc.at[dst_v.at[j]], add=True)
        return carry

    lax.fori_loop(0, NCH, chunk, 0)
    plsc.subcore_barrier()

    base = c * NP + s * RZ
    pltpu.sync_copy(acc.at[pl.ds(s * RZ, RZ)], out_hbm.at[pl.ds(base, RZ)])
    if with_deg:
        pltpu.sync_copy(dacc.at[pl.ds(s * RZ, RZ)], deg_hbm.at[pl.ds(base, RZ)])


def _make_sc_pass(with_deg):
    mesh = plsc.VectorSubcoreMesh(core_axis_name="c", subcore_axis_name="s")
    outs = [jax.ShapeDtypeStruct((NC * NP, D), jnp.float32)]
    scratch = [
        pltpu.VMEM((NCH, CH), jnp.int32),
        pltpu.VMEM((NCH, CH), jnp.int32),
        pltpu.VMEM((CH, D), jnp.float32),
    ]
    if with_deg:
        outs.append(jax.ShapeDtypeStruct((NC * NP,), jnp.float32))
        scratch += [pltpu.VMEM((CH,), jnp.float32)]
    scratch += [pltpu.VMEM_SHARED((NP, D), jnp.float32)]
    if with_deg:
        scratch += [pltpu.VMEM_SHARED((NP,), jnp.float32)]
    scratch += [pltpu.SemaphoreType.DMA]
    return pl.kernel(
        functools.partial(_sc_body, with_deg),
        out_type=outs,
        mesh=mesh,
        scratch_types=scratch,
    )


def _layer(pp, degp, xin, Wl, bl, Wr):
    BR = 1024

    def body(pp_ref, dg_ref, x_ref, wl_ref, b_ref, wr_ref, o_ref):
        p = pp_ref[0] + pp_ref[1]
        dg = dg_ref[0] + dg_ref[1]
        agg = p / jnp.maximum(dg, 1.0)
        h = (jnp.dot(agg, wl_ref[...], preferred_element_type=jnp.float32)
             + b_ref[...]
             + jnp.dot(x_ref[...], wr_ref[...], preferred_element_type=jnp.float32))
        o_ref[...] = jnp.maximum(h, 0.0)

    return pl.pallas_call(
        body,
        grid=(NP // BR,),
        in_specs=[
            pl.BlockSpec((2, BR, D), lambda i: (0, i, 0)),
            pl.BlockSpec((2, BR, 1), lambda i: (0, i, 0)),
            pl.BlockSpec((BR, D), lambda i: (i, 0)),
            pl.BlockSpec((D, D), lambda i: (0, 0)),
            pl.BlockSpec((1, D), lambda i: (0, 0)),
            pl.BlockSpec((D, D), lambda i: (0, 0)),
        ],
        out_specs=pl.BlockSpec((BR, D), lambda i: (i, 0)),
        out_shape=jax.ShapeDtypeStruct((NP, D), jnp.float32),
    )(pp, degp, xin, Wl, bl, Wr)


def _head(h2, batch_col, batch_row, pw, cW1, cb1, cW2, cb2):
    def body(h_ref, b_ref, bt_ref, pw_ref, w1_ref, b1_ref, w2_ref, b2_ref, o_ref):
        h = h_ref[...]
        b = b_ref[...]
        gid = lax.broadcasted_iota(jnp.int32, (NP, G), 1)
        oh = b == gid
        ohf = oh.astype(jnp.float32)
        pwv = pw_ref[...]
        nrm = jnp.sqrt(jnp.sum(pwv * pwv))
        score = jnp.tanh(
            jnp.dot(h, pwv, preferred_element_type=jnp.float32) / nrm)

        counts = jnp.sum(ohf, axis=0, keepdims=True)
        kf = jnp.ceil(jnp.float32(RATIO) * counts)

        u = lax.bitcast_convert_type(score, jnp.uint32)
        u = jnp.where(u == jnp.uint32(0x80000000), jnp.uint32(0), u)
        key = jnp.where(u >= jnp.uint32(0x80000000), ~u,
                        u | jnp.uint32(0x80000000))

        def sbody(i, t):
            bit = jnp.left_shift(jnp.uint32(1), (31 - i).astype(jnp.uint32))
            cand = t | bit
            cnt = jnp.sum(jnp.where((key >= cand) & oh, 1.0, 0.0),
                          axis=0, keepdims=True)
            return jnp.where(cnt >= kf, cand, t)

        t = lax.fori_loop(0, 32, sbody, jnp.zeros((1, G), jnp.uint32))

        gt = (key > t) & oh
        eqm = (key == t) & oh
        cgt = jnp.sum(jnp.where(gt, 1.0, 0.0), axis=0, keepdims=True)
        need = kf - cgt
        iv = lax.broadcasted_iota(jnp.int32, (NP, 1), 0)

        def ibody(i, m):
            bit = jnp.left_shift(jnp.int32(1), 13 - i)
            cand = m | bit
            cnt = jnp.sum(jnp.where((iv < cand) & eqm, 1.0, 0.0),
                          axis=0, keepdims=True)
            return jnp.where(cnt <= need, cand, m)

        m = lax.fori_loop(0, 14, ibody, jnp.zeros((1, G), jnp.int32))
        sel = jnp.sum(jnp.where(gt | (eqm & (iv < m)), 1.0, 0.0),
                      axis=1, keepdims=True)

        bt = bt_ref[...]
        gidT = lax.broadcasted_iota(jnp.int32, (G, NP), 0)
        ohT = (bt == gidT).astype(jnp.float32)
        countsT = jnp.sum(ohT, axis=1, keepdims=True)
        kT = jnp.ceil(jnp.float32(RATIO) * countsT)

        hw = h * (score * sel)
        emb = jnp.dot(ohT, hw, preferred_element_type=jnp.float32)
        emb = emb / jnp.maximum(kT, 1.0)
        o1 = jnp.maximum(
            jnp.dot(emb, w1_ref[...], preferred_element_type=jnp.float32)
            + b1_ref[...], 0.0)
        o_ref[...] = (jnp.dot(o1, w2_ref[...], preferred_element_type=jnp.float32)
                      + b2_ref[...])

    return pl.pallas_call(
        body,
        out_shape=jax.ShapeDtypeStruct((G, 1), jnp.float32),
    )(h2, batch_col, batch_row, pw, cW1, cb1, cW2, cb2)


def kernel(x, edge_index, batch, W1l, b1l, W1r, W2l, b2l, W2r, pool_w, cW1, cb1, cW2, cb2):
    src = edge_index[0].reshape(NW, NCH, CH)
    dst = edge_index[1].reshape(NW, NCH, CH)
    x_p = jnp.zeros((NP, D), jnp.float32).at[:N].set(x)
    batch_p = jnp.concatenate([batch, jnp.full((NP - N,), G, jnp.int32)])
    z_feat = jnp.zeros((NP, D), jnp.float32)
    z_deg = jnp.zeros((NP,), jnp.float32)
    ones_ch = jnp.ones((CH,), jnp.float32)

    p1, degp = _make_sc_pass(True)(x_p, src, dst, z_feat, z_deg, ones_ch)
    p1 = p1.reshape(NC, NP, D)
    degp = degp.reshape(NC, NP, 1)
    h1 = _layer(p1, degp, x_p, W1l, b1l.reshape(1, D), W1r)

    (p2,) = _make_sc_pass(False)(h1, src, dst, z_feat)
    p2 = p2.reshape(NC, NP, D)
    h2 = _layer(p2, degp, h1, W2l, b2l.reshape(1, D), W2r)

    out = _head(h2, batch_p.reshape(NP, 1), batch_p.reshape(1, NP),
                pool_w.reshape(D, 1), cW1, cb1.reshape(1, D), cW2,
                cb2.reshape(1, 1))
    return out[:, 0]

# --- scband reference (transcript-rebuilt; emitter-appended) ---
"""Pipeline reference for scband-gnntopk-75368086110726 (READ-ONLY COPY).

The authoritative reference and input builder live on the scoring server;
editing this copy changes nothing except your own understanding.
"""

import jax, jax.numpy as jnp
import numpy as np

N = 10000
E = 320000
D = 128
H = 128
G = 64
RATIO = 0.3


def setup_inputs(seed: int = 0):
    key = jax.random.key(seed)
    ks = jax.random.split(key, 16)
    s = 0.05
    x = jax.random.normal(ks[0], (N, D), dtype=jnp.float32)
    edge_index = jax.random.randint(ks[1], (2, E), 0, N, dtype=jnp.int32)
    batch = jnp.sort(jax.random.randint(ks[2], (N,), 0, G, dtype=jnp.int32))
    W1l = jax.random.normal(ks[3], (D, H), dtype=jnp.float32) * s
    b1l = jax.random.normal(ks[4], (H,), dtype=jnp.float32) * s
    W1r = jax.random.normal(ks[5], (D, H), dtype=jnp.float32) * s
    W2l = jax.random.normal(ks[6], (H, H), dtype=jnp.float32) * s
    b2l = jax.random.normal(ks[7], (H,), dtype=jnp.float32) * s
    W2r = jax.random.normal(ks[8], (H, H), dtype=jnp.float32) * s
    pool_w = jax.random.normal(ks[9], (H,), dtype=jnp.float32) * s
    cW1 = jax.random.normal(ks[10], (H, H), dtype=jnp.float32) * s
    cb1 = jax.random.normal(ks[11], (H,), dtype=jnp.float32) * s
    cW2 = jax.random.normal(ks[12], (H, 1), dtype=jnp.float32) * s
    cb2 = jax.random.normal(ks[13], (1,), dtype=jnp.float32) * s
    return {"x": x, "edge_index": edge_index, "batch": batch,
            "W1l": W1l, "b1l": b1l, "W1r": W1r,
            "W2l": W2l, "b2l": b2l, "W2r": W2r,
            "pool_w": pool_w, "cW1": cW1, "cb1": cb1, "cW2": cW2, "cb2": cb2}


def _sage_conv(x, src, dst, Wl, bl, Wr):
    # PyG SAGEConv (aggr='mean'): out = lin_l(mean_j x_j) + lin_r(x)
    msg = x[src]
    agg_sum = jax.ops.segment_sum(msg, dst, num_segments=N)
    deg = jax.ops.segment_sum(jnp.ones((src.shape[0],), dtype=x.dtype), dst, num_segments=N)
    agg = agg_sum / jnp.maximum(deg, 1.0)[:, None]
    return agg @ Wl + bl + x @ Wr


def reference(x, edge_index, batch, W1l, b1l, W1r, W2l, b2l, W2r, pool_w, cW1, cb1, cW2, cb2):
    src = edge_index[0]
    dst = edge_index[1]
    h = jax.nn.relu(_sage_conv(x, src, dst, W1l, b1l, W1r))
    h = jax.nn.relu(_sage_conv(h, src, dst, W2l, b2l, W2r))
    # TopKPooling: score = tanh(x @ w / ||w||); keep top ceil(ratio*n_i) nodes per graph
    score = jnp.tanh(h @ pool_w / jnp.linalg.norm(pool_w))
    counts = jnp.bincount(batch, length=G)
    starts = jnp.concatenate([jnp.zeros((1,), dtype=jnp.int32), jnp.cumsum(counts)[:-1].astype(jnp.int32)])
    k = jnp.ceil(RATIO * counts.astype(jnp.float32)).astype(jnp.int32)
    order = jnp.lexsort((-score, batch))
    seg_sorted = batch[order]
    rank = jnp.arange(N, dtype=jnp.int32) - starts[seg_sorted]
    keep_sorted = rank < k[seg_sorted]
    mask = jnp.zeros((N,), dtype=bool).at[order].set(keep_sorted)
    hp = h * score[:, None] * mask[:, None].astype(h.dtype)
    # global_mean_pool over the selected nodes of each graph
    graph_sum = jax.ops.segment_sum(hp, batch, num_segments=G)
    denom = jnp.maximum(k, 1).astype(h.dtype)
    graph_emb = graph_sum / denom[:, None]
    out = jax.nn.relu(graph_emb @ cW1 + cb1)
    out = out @ cW2 + cb2
    return out.squeeze(-1)

if __name__ == "__main__":
    import jax
    _d = setup_inputs()
    print(jax.jit(kernel)(*tuple(_d.values())))

</pallas_src>

<mosaic_0001>
#map = affine_map<(d0, d1) -> (0, 0)>
#map1 = affine_map<(d0, d1) -> (0, 0, 0)>
module attributes {stable_mosaic.version = 14 : i64} {
  func.func @_sc_body(%arg0: i32, %arg1: i32, %arg2: memref<10240x128xf32, #tpu.memory_space<hbm>>, %arg3: memref<32x125x80xi32, #tpu.memory_space<hbm>>, %arg4: memref<32x125x80xi32, #tpu.memory_space<hbm>>, %arg5: memref<10240x128xf32, #tpu.memory_space<hbm>>, %arg6: memref<20480x128xf32, #tpu.memory_space<hbm>>, %arg7: memref<125x80xi32, #tpu.memory_space<vmem>>, %arg8: memref<125x80xi32, #tpu.memory_space<vmem>>, %arg9: memref<80x128xf32, #tpu.memory_space<vmem>>, %arg10: memref<10240x128xf32, #tpu.memory_space<vmem_shared>>, %arg11: memref<!tpu.dma_semaphore, #tpu.memory_space<semaphore_mem>>) attributes {dimension_semantics = [#tpu.dimension_semantics<core_parallel>, #tpu.dimension_semantics<subcore_parallel>], iteration_bounds = array<i64: 2, 16>, scalar_prefetch = 0 : i64, scratch_operands = 5 : i64, tpu.core_type = #tpu.core_type<sc_vector_subcore>, window_params = [{transform_indices = #map}, {transform_indices = #map1}, {transform_indices = #map1}, {transform_indices = #map}, {transform_indices = #map}]} {
    %mul3A = arith.constant 16 : i32
    %mul3A_0 = arith.muli %arg0, %mul3A : i32
    %add3A = arith.addi %mul3A_0, %arg1 : i32
    %mul3A_1 = arith.constant 640 : i32
    %mul3A_2 = arith.muli %arg1, %mul3A_1 : i32
    %mul3A_3 = arith.constant 640 : i32
    %mul3A_4 = arith.muli %arg1, %mul3A_3 : i32
    "tpu.region"() ({
      %run_scoped3A = tpu.sem_alloc : memref<!tpu.dma_semaphore, #tpu.memory_space<semaphore_mem>>
      %dma_start3A = arith.constant 0 : i32
      %dma_start3A_18 = tpu.memref_slice %arg10[%mul3A_4, %dma_start3A] : memref<10240x128xf32, #tpu.memory_space<vmem_shared>> -> memref<640x128xf32, #tpu.memory_space<vmem_shared>>
      %dma_start3A_19 = arith.constant 0 : i32
      %dma_start3A_20 = tpu.memref_slice %arg5[%mul3A_2, %dma_start3A_19] : memref<10240x128xf32, #tpu.memory_space<hbm>> -> memref<640x128xf32, #tpu.memory_space<hbm>>
      tpu.enqueue_dma source(%dma_start3A_20 : memref<640x128xf32, #tpu.memory_space<hbm>>) target(%dma_start3A_18 : memref<640x128xf32, #tpu.memory_space<vmem_shared>>) target_semaphore(%run_scoped3A : memref<!tpu.dma_semaphore, #tpu.memory_space<semaphore_mem>>)
      %dma_wait3A = arith.constant 0 : i32
      %dma_wait3A_21 = tpu.memref_slice %arg10[%mul3A_4, %dma_wait3A] : memref<10240x128xf32, #tpu.memory_space<vmem_shared>> -> memref<640x128xf32, #tpu.memory_space<vmem_shared>>
      %dma_wait3A_22 = arith.constant 0 : i32
      %dma_wait3A_23 = tpu.memref_slice %arg5[%mul3A_2, %dma_wait3A_22] : memref<10240x128xf32, #tpu.memory_space<hbm>> -> memref<640x128xf32, #tpu.memory_space<hbm>>
      tpu.wait_dma2 semaphore(%run_scoped3A : memref<!tpu.dma_semaphore, #tpu.memory_space<semaphore_mem>>) src(%dma_wait3A_23 : memref<640x128xf32, #tpu.memory_space<hbm>>) dst(%dma_wait3A_21 : memref<640x128xf32, #tpu.memory_space<vmem_shared>>)
      tpu.yield
    }) : () -> ()
    "tpu.region"() ({
      %run_scoped3A = tpu.sem_alloc : memref<!tpu.dma_semaphore, #tpu.memory_space<semaphore_mem>>
      %dma_start3A = arith.constant 0 : i32
      %dma_start3A_18 = arith.constant 0 : i32
      %dma_start3A_19 = tpu.memref_slice %arg3[%add3A, %dma_start3A, %dma_start3A_18] : memref<32x125x80xi32, #tpu.memory_space<hbm>> -> memref<1x125x80xi32, #tpu.memory_space<hbm>>
      %dma_start3A_20 = tpu.memref_squeeze %dma_start3A_19 : memref<1x125x80xi32, #tpu.memory_space<hbm>> -> memref<125x80xi32, #tpu.memory_space<hbm>>
      %dma_start3A_21 = arith.constant 0 : i32
      %dma_start3A_22 = arith.constant 0 : i32
      %dma_start3A_23 = tpu.memref_slice %arg3[%add3A, %dma_start3A_21, %dma_start3A_22] : memref<32x125x80xi32, #tpu.memory_space<hbm>> -> memref<1x125x80xi32, #tpu.memory_space<hbm>>
      %dma_start3A_24 = tpu.memref_squeeze %dma_start3A_23 : memref<1x125x80xi32, #tpu.memory_space<hbm>> -> memref<125x80xi32, #tpu.memory_space<hbm>>
      tpu.enqueue_dma source(%dma_start3A_24 : memref<125x80xi32, #tpu.memory_space<hbm>>) target(%arg7 : memref<125x80xi32, #tpu.memory_space<vmem>>) target_semaphore(%run_scoped3A : memref<!tpu.dma_semaphore, #tpu.memory_space<semaphore_mem>>)
      %dma_wait3A = arith.constant 0 : i32
      %dma_wait3A_25 = arith.constant 0 : i32
      %dma_wait3A_26 = tpu.memref_slice %arg3[%add3A, %dma_wait3A, %dma_wait3A_25] : memref<32x125x80xi32, #tpu.memory_space<hbm>> -> memref<1x125x80xi32, #tpu.memory_space<hbm>>
      %dma_wait3A_27 = tpu.memref_squeeze %dma_wait3A_26 : memref<1x125x80xi32, #tpu.memory_space<hbm>> -> memref<125x80xi32, #tpu.memory_space<hbm>>
      %dma_wait3A_28 = arith.constant 0 : i32
      %dma_wait3A_29 = arith.constant 0 : i32
      %dma_wait3A_30 = tpu.memref_slice %arg3[%add3A, %dma_wait3A_28, %dma_wait3A_29] : memref<32x125x80xi32, #tpu.memory_space<hbm>> -> memref<1x125x80xi32, #tpu.memory_space<hbm>>
      %dma_wait3A_31 = tpu.memref_squeeze %dma_wait3A_30 : memref<1x125x80xi32, #tpu.memory_space<hbm>> -> memref<125x80xi32, #tpu.memory_space<hbm>>
      tpu.wait_dma2 semaphore(%run_scoped3A : memref<!tpu.dma_semaphore, #tpu.memory_space<semaphore_mem>>) src(%dma_wait3A_31 : memref<125x80xi32, #tpu.memory_space<hbm>>) dst(%arg7 : memref<125x80xi32, #tpu.memory_space<vmem>>)
      tpu.yield
    }) : () -> ()
    "tpu.region"() ({
      %run_scoped3A = tpu.sem_alloc : memref<!tpu.dma_semaphore, #tpu.memory_space<semaphore_mem>>
      %dma_start3A = arith.constant 0 : i32
      %dma_start3A_18 = arith.constant 0 : i32
      %dma_start3A_19 = tpu.memref_slice %arg4[%add3A, %dma_start3A, %dma_start3A_18] : memref<32x125x80xi32, #tpu.memory_space<hbm>> -> memref<1x125x80xi32, #tpu.memory_space<hbm>>
      %dma_start3A_20 = tpu.memref_squeeze %dma_start3A_19 : memref<1x125x80xi32, #tpu.memory_space<hbm>> -> memref<125x80xi32, #tpu.memory_space<hbm>>
      %dma_start3A_21 = arith.constant 0 : i32
      %dma_start3A_22 = arith.constant 0 : i32
      %dma_start3A_23 = tpu.memref_slice %arg4[%add3A, %dma_start3A_21, %dma_start3A_22] : memref<32x125x80xi32, #tpu.memory_space<hbm>> -> memref<1x125x80xi32, #tpu.memory_space<hbm>>
      %dma_start3A_24 = tpu.memref_squeeze %dma_start3A_23 : memref<1x125x80xi32, #tpu.memory_space<hbm>> -> memref<125x80xi32, #tpu.memory_space<hbm>>
      tpu.enqueue_dma source(%dma_start3A_24 : memref<125x80xi32, #tpu.memory_space<hbm>>) target(%arg8 : memref<125x80xi32, #tpu.memory_space<vmem>>) target_semaphore(%run_scoped3A : memref<!tpu.dma_semaphore, #tpu.memory_space<semaphore_mem>>)
      %dma_wait3A = arith.constant 0 : i32
      %dma_wait3A_25 = arith.constant 0 : i32
      %dma_wait3A_26 = tpu.memref_slice %arg4[%add3A, %dma_wait3A, %dma_wait3A_25] : memref<32x125x80xi32, #tpu.memory_space<hbm>> -> memref<1x125x80xi32, #tpu.memory_space<hbm>>
      %dma_wait3A_27 = tpu.memref_squeeze %dma_wait3A_26 : memref<1x125x80xi32, #tpu.memory_space<hbm>> -> memref<125x80xi32, #tpu.memory_space<hbm>>
      %dma_wait3A_28 = arith.constant 0 : i32
      %dma_wait3A_29 = arith.constant 0 : i32
      %dma_wait3A_30 = tpu.memref_slice %arg4[%add3A, %dma_wait3A_28, %dma_wait3A_29] : memref<32x125x80xi32, #tpu.memory_space<hbm>> -> memref<1x125x80xi32, #tpu.memory_space<hbm>>
      %dma_wait3A_31 = tpu.memref_squeeze %dma_wait3A_30 : memref<1x125x80xi32, #tpu.memory_space<hbm>> -> memref<125x80xi32, #tpu.memory_space<hbm>>
      tpu.wait_dma2 semaphore(%run_scoped3A : memref<!tpu.dma_semaphore, #tpu.memory_space<semaphore_mem>>) src(%dma_wait3A_31 : memref<125x80xi32, #tpu.memory_space<hbm>>) dst(%arg8 : memref<125x80xi32, #tpu.memory_space<vmem>>)
      tpu.yield
    }) : () -> ()
    %barrier3A = arith.constant 0 : index
    tpu.barrier barrier_id(%barrier3A)
    %scan3A = arith.constant 0 : i32
    %scan3A_5 = arith.constant 0 : i32
    %scan3A_6 = arith.constant 125 : i32
    %scan3A_7 = arith.addi %scan3A_5, %scan3A_6 : i32
    %scan3A_8 = arith.constant 1 : i32
    scf.for %scan3A_18 = %scan3A_5 to %scan3A_7 step %scan3A_8  : i32 {
      %dma_start3A = arith.constant 0 : i32
      %dma_start3A_19 = tpu.memref_slice %arg7[%scan3A_18, %dma_start3A] : memref<125x80xi32, #tpu.memory_space<vmem>> -> memref<1x80xi32, #tpu.memory_space<vmem>>
      %dma_start3A_20 = tpu.memref_squeeze %dma_start3A_19 : memref<1x80xi32, #tpu.memory_space<vmem>> -> memref<80xi32, #tpu.memory_space<vmem>>
      %dma_start3A_21 = arith.constant 0 : i32
      %dma_start3A_22 = arith.constant 0 : i32
      %dma_start3A_23 = tpu.memref_slice %arg2[%dma_start3A_21, %dma_start3A_22] : memref<10240x128xf32, #tpu.memory_space<hbm>> -> memref<10240x128xf32, #tpu.memory_space<hbm>>
      tpu.enqueue_indirect_dma source(%dma_start3A_23 : memref<10240x128xf32, #tpu.memory_space<hbm>>) target(%arg9 : memref<80x128xf32, #tpu.memory_space<vmem>>) offsets(%dma_start3A_20 : memref<80xi32, #tpu.memory_space<vmem>>) semaphore(%arg11 : memref<!tpu.dma_semaphore, #tpu.memory_space<semaphore_mem>>)
      %dma_wait3A = arith.constant 0 : i32
      %dma_wait3A_24 = tpu.memref_slice %arg7[%scan3A_18, %dma_wait3A] : memref<125x80xi32, #tpu.memory_space<vmem>> -> memref<1x80xi32, #tpu.memory_space<vmem>>
      %dma_wait3A_25 = tpu.memref_squeeze %dma_wait3A_24 : memref<1x80xi32, #tpu.memory_space<vmem>> -> memref<80xi32, #tpu.memory_space<vmem>>
      %dma_wait3A_26 = arith.constant 0 : i32
      %dma_wait3A_27 = arith.constant 0 : i32
      %dma_wait3A_28 = tpu.memref_slice %arg2[%dma_wait3A_26, %dma_wait3A_27] : memref<10240x128xf32, #tpu.memory_space<hbm>> -> memref<10240x128xf32, #tpu.memory_space<hbm>>
      tpu.wait_indirect_dma semaphore(%arg11 : memref<!tpu.dma_semaphore, #tpu.memory_space<semaphore_mem>>) src(%dma_wait3A_28 : memref<10240x128xf32, #tpu.memory_space<hbm>>) dst(%arg9 : memref<80x128xf32, #tpu.memory_space<vmem>>)
      "tpu.region"() ({
        %run_scoped3A = tpu.sem_alloc : memref<!tpu.dma_semaphore, #tpu.memory_space<semaphore_mem>>
        %dma_start3A_29 = arith.constant 0 : i32
        %dma_start3A_30 = tpu.memref_slice %arg8[%scan3A_18, %dma_start3A_29] : memref<125x80xi32, #tpu.memory_space<vmem>> -> memref<1x80xi32, #tpu.memory_space<vmem>>
        %dma_start3A_31 = tpu.memref_squeeze %dma_start3A_30 : memref<1x80xi32, #tpu.memory_space<vmem>> -> memref<80xi32, #tpu.memory_space<vmem>>
        %dma_start3A_32 = arith.constant 0 : i32
        %dma_start3A_33 = arith.constant 0 : i32
        %dma_start3A_34 = tpu.memref_slice %arg10[%dma_start3A_32, %dma_start3A_33] : memref<10240x128xf32, #tpu.memory_space<vmem_shared>> -> memref<10240x128xf32, #tpu.memory_space<vmem_shared>>
        tpu.enqueue_indirect_dma source(%arg9 : memref<80x128xf32, #tpu.memory_space<vmem>>) target(%dma_start3A_34 : memref<10240x128xf32, #tpu.memory_space<vmem_shared>>) offsets(%dma_start3A_31 : memref<80xi32, #tpu.memory_space<vmem>>) semaphore(%run_scoped3A : memref<!tpu.dma_semaphore, #tpu.memory_space<semaphore_mem>>) {add = true}
        %dma_wait3A_35 = arith.constant 0 : i32
        %dma_wait3A_36 = tpu.memref_slice %arg8[%scan3A_18, %dma_wait3A_35] : memref<125x80xi32, #tpu.memory_space<vmem>> -> memref<1x80xi32, #tpu.memory_space<vmem>>
        %dma_wait3A_37 = tpu.memref_squeeze %dma_wait3A_36 : memref<1x80xi32, #tpu.memory_space<vmem>> -> memref<80xi32, #tpu.memory_space<vmem>>
        %dma_wait3A_38 = arith.constant 0 : i32
        %dma_wait3A_39 = arith.constant 0 : i32
        %dma_wait3A_40 = tpu.memref_slice %arg10[%dma_wait3A_38, %dma_wait3A_39] : memref<10240x128xf32, #tpu.memory_space<vmem_shared>> -> memref<10240x128xf32, #tpu.memory_space<vmem_shared>>
        tpu.wait_indirect_dma semaphore(%run_scoped3A : memref<!tpu.dma_semaphore, #tpu.memory_space<semaphore_mem>>) src(%arg9 : memref<80x128xf32, #tpu.memory_space<vmem>>) dst(%dma_wait3A_40 : memref<10240x128xf32, #tpu.memory_space<vmem_shared>>)
        tpu.yield
      }) : () -> ()
    }
    %scan3A_9 = arith.constant 125 : i32
    %barrier3A_10 = arith.constant 0 : index
    tpu.barrier barrier_id(%barrier3A_10)
    %mul3A_11 = arith.constant 10240 : i32
    %mul3A_12 = arith.muli %arg0, %mul3A_11 : i32
    %mul3A_13 = arith.constant 640 : i32
    %mul3A_14 = arith.muli %arg1, %mul3A_13 : i32
    %add3A_15 = arith.addi %mul3A_12, %mul3A_14 : i32
    %mul3A_16 = arith.constant 640 : i32
    %mul3A_17 = arith.muli %arg1, %mul3A_16 : i32
    "tpu.region"() ({
      %run_scoped3A = tpu.sem_alloc : memref<!tpu.dma_semaphore, #tpu.memory_space<semaphore_mem>>
      %dma_start3A = arith.constant 0 : i32
      %dma_start3A_18 = tpu.memref_slice %arg6[%add3A_15, %dma_start3A] : memref<20480x128xf32, #tpu.memory_space<hbm>> -> memref<640x128xf32, #tpu.memory_space<hbm>>
      %dma_start3A_19 = arith.constant 0 : i32
      %dma_start3A_20 = tpu.memref_slice %arg10[%mul3A_17, %dma_start3A_19] : memref<10240x128xf32, #tpu.memory_space<vmem_shared>> -> memref<640x128xf32, #tpu.memory_space<vmem_shared>>
      tpu.enqueue_dma source(%dma_start3A_20 : memref<640x128xf32, #tpu.memory_space<vmem_shared>>) target(%dma_start3A_18 : memref<640x128xf32, #tpu.memory_space<hbm>>) target_semaphore(%run_scoped3A : memref<!tpu.dma_semaphore, #tpu.memory_space<semaphore_mem>>)
      %dma_wait3A = arith.constant 0 : i32
      %dma_wait3A_21 = tpu.memref_slice %arg6[%add3A_15, %dma_wait3A] : memref<20480x128xf32, #tpu.memory_space<hbm>> -> memref<640x128xf32, #tpu.memory_space<hbm>>
      %dma_wait3A_22 = arith.constant 0 : i32
      %dma_wait3A_23 = tpu.memref_slice %arg10[%mul3A_17, %dma_wait3A_22] : memref<10240x128xf32, #tpu.memory_space<vmem_shared>> -> memref<640x128xf32, #tpu.memory_space<vmem_shared>>
      tpu.wait_dma2 semaphore(%run_scoped3A : memref<!tpu.dma_semaphore, #tpu.memory_space<semaphore_mem>>) src(%dma_wait3A_23 : memref<640x128xf32, #tpu.memory_space<vmem_shared>>) dst(%dma_wait3A_21 : memref<640x128xf32, #tpu.memory_space<hbm>>)
      tpu.yield
    }) : () -> ()
    return
  }
}

#map = affine_map<(d0, d1) -> (0, 0)>
#map1 = affine_map<(d0, d1) -> (0, 0, 0)>
#map2 = affine_map<(d0, d1) -> (0)>
module attributes {stable_mosaic.version = 14 : i64} {
  func.func @_sc_body(%arg0: i32, %arg1: i32, %arg2: memref<10240x128xf32, #tpu.memory_space<hbm>>, %arg3: memref<32x125x80xi32, #tpu.memory_space<hbm>>, %arg4: memref<32x125x80xi32, #tpu.memory_space<hbm>>, %arg5: memref<10240x128xf32, #tpu.memory_space<hbm>>, %arg6: memref<10240xf32, #tpu.memory_space<hbm>>, %arg7: memref<80xf32, #tpu.memory_space<hbm>>, %arg8: memref<20480x128xf32, #tpu.memory_space<hbm>>, %arg9: memref<20480xf32, #tpu.memory_space<hbm>>, %arg10: memref<125x80xi32, #tpu.memory_space<vmem>>, %arg11: memref<125x80xi32, #tpu.memory_space<vmem>>, %arg12: memref<80x128xf32, #tpu.memory_space<vmem>>, %arg13: memref<80xf32, #tpu.memory_space<vmem>>, %arg14: memref<10240x128xf32, #tpu.memory_space<vmem_shared>>, %arg15: memref<10240xf32, #tpu.memory_space<vmem_shared>>, %arg16: memref<!tpu.dma_semaphore, #tpu.memory_space<semaphore_mem>>) attributes {dimension_semantics = [#tpu.dimension_semantics<core_parallel>, #tpu.dimension_semantics<subcore_parallel>], iteration_bounds = array<i64: 2, 16>, scalar_prefetch = 0 : i64, scratch_operands = 7 : i64, tpu.core_type = #tpu.core_type<sc_vector_subcore>, window_params = [{transform_indices = #map}, {transform_indices = #map1}, {transform_indices = #map1}, {transform_indices = #map}, {transform_indices = #map2}, {transform_indices = #map2}, {transform_indices = #map}, {transform_indices = #map2}]} {
    %mul3A = arith.constant 16 : i32
    %mul3A_0 = arith.muli %arg0, %mul3A : i32
    %add3A = arith.addi %mul3A_0, %arg1 : i32
    %mul3A_1 = arith.constant 640 : i32
    %mul3A_2 = arith.muli %arg1, %mul3A_1 : i32
    %mul3A_3 = arith.constant 640 : i32
    %mul3A_4 = arith.muli %arg1, %mul3A_3 : i32
    "tpu.region"() ({
      %run_scoped3A = tpu.sem_alloc : memref<!tpu.dma_semaphore, #tpu.memory_space<semaphore_mem>>
      %dma_start3A = arith.constant 0 : i32
      %dma_start3A_24 = tpu.memref_slice %arg14[%mul3A_4, %dma_start3A] : memref<10240x128xf32, #tpu.memory_space<vmem_shared>> -> memref<640x128xf32, #tpu.memory_space<vmem_shared>>
      %dma_start3A_25 = arith.constant 0 : i32
      %dma_start3A_26 = tpu.memref_slice %arg5[%mul3A_2, %dma_start3A_25] : memref<10240x128xf32, #tpu.memory_space<hbm>> -> memref<640x128xf32, #tpu.memory_space<hbm>>
      tpu.enqueue_dma source(%dma_start3A_26 : memref<640x128xf32, #tpu.memory_space<hbm>>) target(%dma_start3A_24 : memref<640x128xf32, #tpu.memory_space<vmem_shared>>) target_semaphore(%run_scoped3A : memref<!tpu.dma_semaphore, #tpu.memory_space<semaphore_mem>>)
      %dma_wait3A = arith.constant 0 : i32
      %dma_wait3A_27 = tpu.memref_slice %arg14[%mul3A_4, %dma_wait3A] : memref<10240x128xf32, #tpu.memory_space<vmem_shared>> -> memref<640x128xf32, #tpu.memory_space<vmem_shared>>
      %dma_wait3A_28 = arith.constant 0 : i32
      %dma_wait3A_29 = tpu.memref_slice %arg5[%mul3A_2, %dma_wait3A_28] : memref<10240x128xf32, #tpu.memory_space<hbm>> -> memref<640x128xf32, #tpu.memory_space<hbm>>
      tpu.wait_dma2 semaphore(%run_scoped3A : memref<!tpu.dma_semaphore, #tpu.memory_space<semaphore_mem>>) src(%dma_wait3A_29 : memref<640x128xf32, #tpu.memory_space<hbm>>) dst(%dma_wait3A_27 : memref<640x128xf32, #tpu.memory_space<vmem_shared>>)
      tpu.yield
    }) : () -> ()
    %mul3A_5 = arith.constant 640 : i32
    %mul3A_6 = arith.muli %arg1, %mul3A_5 : i32
    %mul3A_7 = arith.constant 640 : i32
    %mul3A_8 = arith.muli %arg1, %mul3A_7 : i32
    "tpu.region"() ({
      %run_scoped3A = tpu.sem_alloc : memref<!tpu.dma_semaphore, #tpu.memory_space<semaphore_mem>>
      %dma_start3A = tpu.memref_slice %arg15[%mul3A_8] : memref<10240xf32, #tpu.memory_space<vmem_shared>> -> memref<640xf32, #tpu.memory_space<vmem_shared>>
      %dma_start3A_24 = tpu.memref_slice %arg6[%mul3A_6] : memref<10240xf32, #tpu.memory_space<hbm>> -> memref<640xf32, #tpu.memory_space<hbm>>
      tpu.enqueue_dma source(%dma_start3A_24 : memref<640xf32, #tpu.memory_space<hbm>>) target(%dma_start3A : memref<640xf32, #tpu.memory_space<vmem_shared>>) target_semaphore(%run_scoped3A : memref<!tpu.dma_semaphore, #tpu.memory_space<semaphore_mem>>)
      %dma_wait3A = tpu.memref_slice %arg15[%mul3A_8] : memref<10240xf32, #tpu.memory_space<vmem_shared>> -> memref<640xf32, #tpu.memory_space<vmem_shared>>
      %dma_wait3A_25 = tpu.memref_slice %arg6[%mul3A_6] : memref<10240xf32, #tpu.memory_space<hbm>> -> memref<640xf32, #tpu.memory_space<hbm>>
      tpu.wait_dma2 semaphore(%run_scoped3A : memref<!tpu.dma_semaphore, #tpu.memory_space<semaphore_mem>>) src(%dma_wait3A_25 : memref<640xf32, #tpu.memory_space<hbm>>) dst(%dma_wait3A : memref<640xf32, #tpu.memory_space<vmem_shared>>)
      tpu.yield
    }) : () -> ()
    "tpu.region"() ({
      %run_scoped3A = tpu.sem_alloc : memref<!tpu.dma_semaphore, #tpu.memory_space<semaphore_mem>>
      tpu.enqueue_dma source(%arg7 : memref<80xf32, #tpu.memory_space<hbm>>) target(%arg13 : memref<80xf32, #tpu.memory_space<vmem>>) target_semaphore(%run_scoped3A : memref<!tpu.dma_semaphore, #tpu.memory_space<semaphore_mem>>)
      tpu.wait_dma2 semaphore(%run_scoped3A : memref<!tpu.dma_semaphore, #tpu.memory_space<semaphore_mem>>) src(%arg7 : memref<80xf32, #tpu.memory_space<hbm>>) dst(%arg13 : memref<80xf32, #tpu.memory_space<vmem>>)
      tpu.yield
    }) : () -> ()
    "tpu.region"() ({
      %run_scoped3A = tpu.sem_alloc : memref<!tpu.dma_semaphore, #tpu.memory_space<semaphore_mem>>
      %dma_start3A = arith.constant 0 : i32
      %dma_start3A_24 = arith.constant 0 : i32
      %dma_start3A_25 = tpu.memref_slice %arg3[%add3A, %dma_start3A, %dma_start3A_24] : memref<32x125x80xi32, #tpu.memory_space<hbm>> -> memref<1x125x80xi32, #tpu.memory_space<hbm>>
      %dma_start3A_26 = tpu.memref_squeeze %dma_start3A_25 : memref<1x125x80xi32, #tpu.memory_space<hbm>> -> memref<125x80xi32, #tpu.memory_space<hbm>>
      %dma_start3A_27 = arith.constant 0 : i32
      %dma_start3A_28 = arith.constant 0 : i32
      %dma_start3A_29 = tpu.memref_slice %arg3[%add3A, %dma_start3A_27, %dma_start3A_28] : memref<32x125x80xi32, #tpu.memory_space<hbm>> -> memref<1x125x80xi32, #tpu.memory_space<hbm>>
      %dma_start3A_30 = tpu.memref_squeeze %dma_start3A_29 : memref<1x125x80xi32, #tpu.memory_space<hbm>> -> memref<125x80xi32, #tpu.memory_space<hbm>>
      tpu.enqueue_dma source(%dma_start3A_30 : memref<125x80xi32, #tpu.memory_space<hbm>>) target(%arg10 : memref<125x80xi32, #tpu.memory_space<vmem>>) target_semaphore(%run_scoped3A : memref<!tpu.dma_semaphore, #tpu.memory_space<semaphore_mem>>)
      %dma_wait3A = arith.constant 0 : i32
      %dma_wait3A_31 = arith.constant 0 : i32
      %dma_wait3A_32 = tpu.memref_slice %arg3[%add3A, %dma_wait3A, %dma_wait3A_31] : memref<32x125x80xi32, #tpu.memory_space<hbm>> -> memref<1x125x80xi32, #tpu.memory_space<hbm>>
      %dma_wait3A_33 = tpu.memref_squeeze %dma_wait3A_32 : memref<1x125x80xi32, #tpu.memory_space<hbm>> -> memref<125x80xi32, #tpu.memory_space<hbm>>
      %dma_wait3A_34 = arith.constant 0 : i32
      %dma_wait3A_35 = arith.constant 0 : i32
      %dma_wait3A_36 = tpu.memref_slice %arg3[%add3A, %dma_wait3A_34, %dma_wait3A_35] : memref<32x125x80xi32, #tpu.memory_space<hbm>> -> memref<1x125x80xi32, #tpu.memory_space<hbm>>
      %dma_wait3A_37 = tpu.memref_squeeze %dma_wait3A_36 : memref<1x125x80xi32, #tpu.memory_space<hbm>> -> memref<125x80xi32, #tpu.memory_space<hbm>>
      tpu.wait_dma2 semaphore(%run_scoped3A : memref<!tpu.dma_semaphore, #tpu.memory_space<semaphore_mem>>) src(%dma_wait3A_37 : memref<125x80xi32, #tpu.memory_space<hbm>>) dst(%arg10 : memref<125x80xi32, #tpu.memory_space<vmem>>)
      tpu.yield
    }) : () -> ()
    "tpu.region"() ({
      %run_scoped3A = tpu.sem_alloc : memref<!tpu.dma_semaphore, #tpu.memory_space<semaphore_mem>>
      %dma_start3A = arith.constant 0 : i32
      %dma_start3A_24 = arith.constant 0 : i32
      %dma_start3A_25 = tpu.memref_slice %arg4[%add3A, %dma_start3A, %dma_start3A_24] : memref<32x125x80xi32, #tpu.memory_space<hbm>> -> memref<1x125x80xi32, #tpu.memory_space<hbm>>
      %dma_start3A_26 = tpu.memref_squeeze %dma_start3A_25 : memref<1x125x80xi32, #tpu.memory_space<hbm>> -> memref<125x80xi32, #tpu.memory_space<hbm>>
      %dma_start3A_27 = arith.constant 0 : i32
      %dma_start3A_28 = arith.constant 0 : i32
      %dma_start3A_29 = tpu.memref_slice %arg4[%add3A, %dma_start3A_27, %dma_start3A_28] : memref<32x125x80xi32, #tpu.memory_space<hbm>> -> memref<1x125x80xi32, #tpu.memory_space<hbm>>
      %dma_start3A_30 = tpu.memref_squeeze %dma_start3A_29 : memref<1x125x80xi32, #tpu.memory_space<hbm>> -> memref<125x80xi32, #tpu.memory_space<hbm>>
      tpu.enqueue_dma source(%dma_start3A_30 : memref<125x80xi32, #tpu.memory_space<hbm>>) target(%arg11 : memref<125x80xi32, #tpu.memory_space<vmem>>) target_semaphore(%run_scoped3A : memref<!tpu.dma_semaphore, #tpu.memory_space<semaphore_mem>>)
      %dma_wait3A = arith.constant 0 : i32
      %dma_wait3A_31 = arith.constant 0 : i32
      %dma_wait3A_32 = tpu.memref_slice %arg4[%add3A, %dma_wait3A, %dma_wait3A_31] : memref<32x125x80xi32, #tpu.memory_space<hbm>> -> memref<1x125x80xi32, #tpu.memory_space<hbm>>
      %dma_wait3A_33 = tpu.memref_squeeze %dma_wait3A_32 : memref<1x125x80xi32, #tpu.memory_space<hbm>> -> memref<125x80xi32, #tpu.memory_space<hbm>>
      %dma_wait3A_34 = arith.constant 0 : i32
      %dma_wait3A_35 = arith.constant 0 : i32
      %dma_wait3A_36 = tpu.memref_slice %arg4[%add3A, %dma_wait3A_34, %dma_wait3A_35] : memref<32x125x80xi32, #tpu.memory_space<hbm>> -> memref<1x125x80xi32, #tpu.memory_space<hbm>>
      %dma_wait3A_37 = tpu.memref_squeeze %dma_wait3A_36 : memref<1x125x80xi32, #tpu.memory_space<hbm>> -> memref<125x80xi32, #tpu.memory_space<hbm>>
      tpu.wait_dma2 semaphore(%run_scoped3A : memref<!tpu.dma_semaphore, #tpu.memory_space<semaphore_mem>>) src(%dma_wait3A_37 : memref<125x80xi32, #tpu.memory_space<hbm>>) dst(%arg11 : memref<125x80xi32, #tpu.memory_space<vmem>>)
      tpu.yield
    }) : () -> ()
    %barrier3A = arith.constant 0 : index
    tpu.barrier barrier_id(%barrier3A)
    %scan3A = arith.constant 0 : i32
    %scan3A_9 = arith.constant 0 : i32
    %scan3A_10 = arith.constant 125 : i32
    %scan3A_11 = arith.addi %scan3A_9, %scan3A_10 : i32
    %scan3A_12 = arith.constant 1 : i32
    scf.for %scan3A_24 = %scan3A_9 to %scan3A_11 step %scan3A_12  : i32 {
      %dma_start3A = arith.constant 0 : i32
      %dma_start3A_25 = tpu.memref_slice %arg10[%scan3A_24, %dma_start3A] : memref<125x80xi32, #tpu.memory_space<vmem>> -> memref<1x80xi32, #tpu.memory_space<vmem>>
      %dma_start3A_26 = tpu.memref_squeeze %dma_start3A_25 : memref<1x80xi32, #tpu.memory_space<vmem>> -> memref<80xi32, #tpu.memory_space<vmem>>
      %dma_start3A_27 = arith.constant 0 : i32
      %dma_start3A_28 = arith.constant 0 : i32
      %dma_start3A_29 = tpu.memref_slice %arg2[%dma_start3A_27, %dma_start3A_28] : memref<10240x128xf32, #tpu.memory_space<hbm>> -> memref<10240x128xf32, #tpu.memory_space<hbm>>
      tpu.enqueue_indirect_dma source(%dma_start3A_29 : memref<10240x128xf32, #tpu.memory_space<hbm>>) target(%arg12 : memref<80x128xf32, #tpu.memory_space<vmem>>) offsets(%dma_start3A_26 : memref<80xi32, #tpu.memory_space<vmem>>) semaphore(%arg16 : memref<!tpu.dma_semaphore, #tpu.memory_space<semaphore_mem>>)
      %dma_wait3A = arith.constant 0 : i32
      %dma_wait3A_30 = tpu.memref_slice %arg10[%scan3A_24, %dma_wait3A] : memref<125x80xi32, #tpu.memory_space<vmem>> -> memref<1x80xi32, #tpu.memory_space<vmem>>
      %dma_wait3A_31 = tpu.memref_squeeze %dma_wait3A_30 : memref<1x80xi32, #tpu.memory_space<vmem>> -> memref<80xi32, #tpu.memory_space<vmem>>
      %dma_wait3A_32 = arith.constant 0 : i32
      %dma_wait3A_33 = arith.constant 0 : i32
      %dma_wait3A_34 = tpu.memref_slice %arg2[%dma_wait3A_32, %dma_wait3A_33] : memref<10240x128xf32, #tpu.memory_space<hbm>> -> memref<10240x128xf32, #tpu.memory_space<hbm>>
      tpu.wait_indirect_dma semaphore(%arg16 : memref<!tpu.dma_semaphore, #tpu.memory_space<semaphore_mem>>) src(%dma_wait3A_34 : memref<10240x128xf32, #tpu.memory_space<hbm>>) dst(%arg12 : memref<80x128xf32, #tpu.memory_space<vmem>>)
      "tpu.region"() ({
        %run_scoped3A = tpu.sem_alloc : memref<!tpu.dma_semaphore, #tpu.memory_space<semaphore_mem>>
        %dma_start3A_35 = arith.constant 0 : i32
        %dma_start3A_36 = tpu.memref_slice %arg11[%scan3A_24, %dma_start3A_35] : memref<125x80xi32, #tpu.memory_space<vmem>> -> memref<1x80xi32, #tpu.memory_space<vmem>>
        %dma_start3A_37 = tpu.memref_squeeze %dma_start3A_36 : memref<1x80xi32, #tpu.memory_space<vmem>> -> memref<80xi32, #tpu.memory_space<vmem>>
        %dma_start3A_38 = arith.constant 0 : i32
        %dma_start3A_39 = arith.constant 0 : i32
        %dma_start3A_40 = tpu.memref_slice %arg14[%dma_start3A_38, %dma_start3A_39] : memref<10240x128xf32, #tpu.memory_space<vmem_shared>> -> memref<10240x128xf32, #tpu.memory_space<vmem_shared>>
        tpu.enqueue_indirect_dma source(%arg12 : memref<80x128xf32, #tpu.memory_space<vmem>>) target(%dma_start3A_40 : memref<10240x128xf32, #tpu.memory_space<vmem_shared>>) offsets(%dma_start3A_37 : memref<80xi32, #tpu.memory_space<vmem>>) semaphore(%run_scoped3A : memref<!tpu.dma_semaphore, #tpu.memory_space<semaphore_mem>>) {add = true}
        %dma_wait3A_41 = arith.constant 0 : i32
        %dma_wait3A_42 = tpu.memref_slice %arg11[%scan3A_24, %dma_wait3A_41] : memref<125x80xi32, #tpu.memory_space<vmem>> -> memref<1x80xi32, #tpu.memory_space<vmem>>
        %dma_wait3A_43 = tpu.memref_squeeze %dma_wait3A_42 : memref<1x80xi32, #tpu.memory_space<vmem>> -> memref<80xi32, #tpu.memory_space<vmem>>
        %dma_wait3A_44 = arith.constant 0 : i32
        %dma_wait3A_45 = arith.constant 0 : i32
        %dma_wait3A_46 = tpu.memref_slice %arg14[%dma_wait3A_44, %dma_wait3A_45] : memref<10240x128xf32, #tpu.memory_space<vmem_shared>> -> memref<10240x128xf32, #tpu.memory_space<vmem_shared>>
        tpu.wait_indirect_dma semaphore(%run_scoped3A : memref<!tpu.dma_semaphore, #tpu.memory_space<semaphore_mem>>) src(%arg12 : memref<80x128xf32, #tpu.memory_space<vmem>>) dst(%dma_wait3A_46 : memref<10240x128xf32, #tpu.memory_space<vmem_shared>>)
        tpu.yield
      }) : () -> ()
      "tpu.region"() ({
        %run_scoped3A = tpu.sem_alloc : memref<!tpu.dma_semaphore, #tpu.memory_space<semaphore_mem>>
        %dma_start3A_35 = arith.constant 0 : i32
        %dma_start3A_36 = tpu.memref_slice %arg11[%scan3A_24, %dma_start3A_35] : memref<125x80xi32, #tpu.memory_space<vmem>> -> memref<1x80xi32, #tpu.memory_space<vmem>>
        %dma_start3A_37 = tpu.memref_squeeze %dma_start3A_36 : memref<1x80xi32, #tpu.memory_space<vmem>> -> memref<80xi32, #tpu.memory_space<vmem>>
        %dma_start3A_38 = arith.constant 0 : i32
        %dma_start3A_39 = tpu.memref_slice %arg15[%dma_start3A_38] : memref<10240xf32, #tpu.memory_space<vmem_shared>> -> memref<10240xf32, #tpu.memory_space<vmem_shared>>
        tpu.enqueue_indirect_dma source(%arg13 : memref<80xf32, #tpu.memory_space<vmem>>) target(%dma_start3A_39 : memref<10240xf32, #tpu.memory_space<vmem_shared>>) offsets(%dma_start3A_37 : memref<80xi32, #tpu.memory_space<vmem>>) semaphore(%run_scoped3A : memref<!tpu.dma_semaphore, #tpu.memory_space<semaphore_mem>>) {add = true}
        %dma_wait3A_40 = arith.constant 0 : i32
        %dma_wait3A_41 = tpu.memref_slice %arg11[%scan3A_24, %dma_wait3A_40] : memref<125x80xi32, #tpu.memory_space<vmem>> -> memref<1x80xi32, #tpu.memory_space<vmem>>
        %dma_wait3A_42 = tpu.memref_squeeze %dma_wait3A_41 : memref<1x80xi32, #tpu.memory_space<vmem>> -> memref<80xi32, #tpu.memory_space<vmem>>
        %dma_wait3A_43 = arith.constant 0 : i32
        %dma_wait3A_44 = tpu.memref_slice %arg15[%dma_wait3A_43] : memref<10240xf32, #tpu.memory_space<vmem_shared>> -> memref<10240xf32, #tpu.memory_space<vmem_shared>>
        tpu.wait_indirect_dma semaphore(%run_scoped3A : memref<!tpu.dma_semaphore, #tpu.memory_space<semaphore_mem>>) src(%arg13 : memref<80xf32, #tpu.memory_space<vmem>>) dst(%dma_wait3A_44 : memref<10240xf32, #tpu.memory_space<vmem_shared>>)
        tpu.yield
      }) : () -> ()
    }
    %scan3A_13 = arith.constant 125 : i32
    %barrier3A_14 = arith.constant 0 : index
    tpu.barrier barrier_id(%barrier3A_14)
    %mul3A_15 = arith.constant 10240 : i32
    %mul3A_16 = arith.muli %arg0, %mul3A_15 : i32
    %mul3A_17 = arith.constant 640 : i32
    %mul3A_18 = arith.muli %arg1, %mul3A_17 : i32
    %add3A_19 = arith.addi %mul3A_16, %mul3A_18 : i32
    %mul3A_20 = arith.constant 640 : i32
    %mul3A_21 = arith.muli %arg1, %mul3A_20 : i32
    "tpu.region"() ({
      %run_scoped3A = tpu.sem_alloc : memref<!tpu.dma_semaphore, #tpu.memory_space<semaphore_mem>>
      %dma_start3A = arith.constant 0 : i32
      %dma_start3A_24 = tpu.memref_slice %arg8[%add3A_19, %dma_start3A] : memref<20480x128xf32, #tpu.memory_space<hbm>> -> memref<640x128xf32, #tpu.memory_space<hbm>>
      %dma_start3A_25 = arith.constant 0 : i32
      %dma_start3A_26 = tpu.memref_slice %arg14[%mul3A_21, %dma_start3A_25] : memref<10240x128xf32, #tpu.memory_space<vmem_shared>> -> memref<640x128xf32, #tpu.memory_space<vmem_shared>>
      tpu.enqueue_dma source(%dma_start3A_26 : memref<640x128xf32, #tpu.memory_space<vmem_shared>>) target(%dma_start3A_24 : memref<640x128xf32, #tpu.memory_space<hbm>>) target_semaphore(%run_scoped3A : memref<!tpu.dma_semaphore, #tpu.memory_space<semaphore_mem>>)
      %dma_wait3A = arith.constant 0 : i32
      %dma_wait3A_27 = tpu.memref_slice %arg8[%add3A_19, %dma_wait3A] : memref<20480x128xf32, #tpu.memory_space<hbm>> -> memref<640x128xf32, #tpu.memory_space<hbm>>
      %dma_wait3A_28 = arith.constant 0 : i32
      %dma_wait3A_29 = tpu.memref_slice %arg14[%mul3A_21, %dma_wait3A_28] : memref<10240x128xf32, #tpu.memory_space<vmem_shared>> -> memref<640x128xf32, #tpu.memory_space<vmem_shared>>
      tpu.wait_dma2 semaphore(%run_scoped3A : memref<!tpu.dma_semaphore, #tpu.memory_space<semaphore_mem>>) src(%dma_wait3A_29 : memref<640x128xf32, #tpu.memory_space<vmem_shared>>) dst(%dma_wait3A_27 : memref<640x128xf32, #tpu.memory_space<hbm>>)
      tpu.yield
    }) : () -> ()
    %mul3A_22 = arith.constant 640 : i32
    %mul3A_23 = arith.muli %arg1, %mul3A_22 : i32
    "tpu.region"() ({
      %run_scoped3A = tpu.sem_alloc : memref<!tpu.dma_semaphore, #tpu.memory_space<semaphore_mem>>
      %dma_start3A = tpu.memref_slice %arg9[%add3A_19] : memref<20480xf32, #tpu.memory_space<hbm>> -> memref<640xf32, #tpu.memory_space<hbm>>
      %dma_start3A_24 = tpu.memref_slice %arg15[%mul3A_23] : memref<10240xf32, #tpu.memory_space<vmem_shared>> -> memref<640xf32, #tpu.memory_space<vmem_shared>>
      tpu.enqueue_dma source(%dma_start3A_24 : memref<640xf32, #tpu.memory_space<vmem_shared>>) target(%dma_start3A : memref<640xf32, #tpu.memory_space<hbm>>) target_semaphore(%run_scoped3A : memref<!tpu.dma_semaphore, #tpu.memory_space<semaphore_mem>>)
      %dma_wait3A = tpu.memref_slice %arg9[%add3A_19] : memref<20480xf32, #tpu.memory_space<hbm>> -> memref<640xf32, #tpu.memory_space<hbm>>
      %dma_wait3A_25 = tpu.memref_slice %arg15[%mul3A_23] : memref<10240xf32, #tpu.memory_space<vmem_shared>> -> memref<640xf32, #tpu.memory_space<vmem_shared>>
      tpu.wait_dma2 semaphore(%run_scoped3A : memref<!tpu.dma_semaphore, #tpu.memory_space<semaphore_mem>>) src(%dma_wait3A_25 : memref<640xf32, #tpu.memory_space<vmem_shared>>) dst(%dma_wait3A : memref<640xf32, #tpu.memory_space<hbm>>)
      tpu.yield
    }) : () -> ()
    return
  }
}

module attributes {stable_mosaic.version = 14 : i64} {
  func.func @body(%arg0: i32, %arg1: memref<2x1024x128xf32, #tpu.memory_space<vmem>>, %arg2: memref<2x1024x1xf32, #tpu.memory_space<vmem>>, %arg3: memref<1024x128xf32, #tpu.memory_space<vmem>>, %arg4: memref<128x128xf32, #tpu.memory_space<vmem>>, %arg5: memref<1x128xf32, #tpu.memory_space<vmem>>, %arg6: memref<128x128xf32, #tpu.memory_space<vmem>>, %arg7: memref<1024x128xf32, #tpu.memory_space<vmem>>) attributes {dimension_semantics = [#tpu.dimension_semantics<arbitrary>], iteration_bounds = array<i64: 10>, scalar_prefetch = 0 : i64, scratch_operands = 0 : i64, tpu.core_type = #tpu.core_type<tc>, window_params = [{transform_indices = @transform_0, window_bounds = array<i64: 2, 1024, 128>}, {transform_indices = @transform_1, window_bounds = array<i64: 2, 1024, 1>}, {transform_indices = @transform_2, window_bounds = array<i64: 1024, 128>}, {pipeline_mode = #tpu.pipeline_mode<synchronous>, transform_indices = @transform_3, window_bounds = array<i64: 128, 128>}, {pipeline_mode = #tpu.pipeline_mode<synchronous>, transform_indices = @transform_4, window_bounds = array<i64: 1, 128>}, {pipeline_mode = #tpu.pipeline_mode<synchronous>, transform_indices = @transform_5, window_bounds = array<i64: 128, 128>}, {transform_indices = @transform_6, window_bounds = array<i64: 1024, 128>}]} {
    %get3A = arith.constant 0 : index
    %get3A_0 = arith.constant 0 : index
    %get3A_1 = arith.constant 0 : index
    %get3A_2 = vector.load %arg1[%get3A, %get3A_0, %get3A_1] : memref<2x1024x128xf32, #tpu.memory_space<vmem>>, vector<1x1024x128xf32>
    %get3A_3 = vector.shape_cast %get3A_2 : vector<1x1024x128xf32> to vector<1024x128xf32>
    %get3A_4 = arith.constant 1 : index
    %get3A_5 = arith.constant 0 : index
    %get3A_6 = arith.constant 0 : index
    %get3A_7 = vector.load %arg1[%get3A_4, %get3A_5, %get3A_6] : memref<2x1024x128xf32, #tpu.memory_space<vmem>>, vector<1x1024x128xf32>
    %get3A_8 = vector.shape_cast %get3A_7 : vector<1x1024x128xf32> to vector<1024x128xf32>
    %add3A = arith.addf %get3A_3, %get3A_8 : vector<1024x128xf32>
    %get3A_9 = arith.constant 0 : index
    %get3A_10 = arith.constant 0 : index
    %get3A_11 = arith.constant 0 : index
    %get3A_12 = vector.load %arg2[%get3A_9, %get3A_10, %get3A_11] : memref<2x1024x1xf32, #tpu.memory_space<vmem>>, vector<1x1024x1xf32>
    %get3A_13 = vector.shape_cast %get3A_12 : vector<1x1024x1xf32> to vector<1024x1xf32>
    %get3A_14 = arith.constant 1 : index
    %get3A_15 = arith.constant 0 : index
    %get3A_16 = arith.constant 0 : index
    %get3A_17 = vector.load %arg2[%get3A_14, %get3A_15, %get3A_16] : memref<2x1024x1xf32, #tpu.memory_space<vmem>>, vector<1x1024x1xf32>
    %get3A_18 = vector.shape_cast %get3A_17 : vector<1x1024x1xf32> to vector<1024x1xf32>
    %add3A_19 = arith.addf %get3A_13, %get3A_18 : vector<1024x1xf32>
    %max3A = arith.constant 1.000000e+00 : f32
    %max3A_20 = vector.broadcast %max3A : f32 to vector<1024x1xf32>
    %max3A_21 = arith.maximumf %add3A_19, %max3A_20 : vector<1024x1xf32>
    %div3A = vector.broadcast %max3A_21 : vector<1024x1xf32> to vector<1024x128xf32>
    %div3A_22 = arith.divf %add3A, %div3A : vector<1024x128xf32>
    %get3A_23 = arith.constant 0 : index
    %get3A_24 = arith.constant 0 : index
    %get3A_25 = vector.load %arg4[%get3A_23, %get3A_24] : memref<128x128xf32, #tpu.memory_space<vmem>>, vector<128x128xf32>
    %dot_general3A = arith.constant dense<0.000000e+00> : vector<1024x128xf32>
    %dot_general3A_26 = tpu.matmul %div3A_22, %get3A_25, %dot_general3A {dimension_numbers = #tpu.dot_dimension_numbers<[1], [0], [0], [1], [0, 0, 1, 1], [], []>, transpose_lhs_hint = false} : vector<1024x128xf32>, vector<128x128xf32>, vector<1024x128xf32> -> vector<1024x128xf32>
    %get3A_27 = arith.constant 0 : index
    %get3A_28 = arith.constant 0 : index
    %get3A_29 = vector.load %arg5[%get3A_27, %get3A_28] : memref<1x128xf32, #tpu.memory_space<vmem>>, vector<1x128xf32>
    %add3A_30 = vector.broadcast %get3A_29 : vector<1x128xf32> to vector<1024x128xf32>
    %add3A_31 = arith.addf %dot_general3A_26, %add3A_30 : vector<1024x128xf32>
    %get3A_32 = arith.constant 0 : index
    %get3A_33 = arith.constant 0 : index
    %get3A_34 = vector.load %arg3[%get3A_32, %get3A_33] : memref<1024x128xf32, #tpu.memory_space<vmem>>, vector<1024x128xf32>
    %get3A_35 = arith.constant 0 : index
    %get3A_36 = arith.constant 0 : index
    %get3A_37 = vector.load %arg6[%get3A_35, %get3A_36] : memref<128x128xf32, #tpu.memory_space<vmem>>, vector<128x128xf32>
    %dot_general3A_38 = arith.constant dense<0.000000e+00> : vector<1024x128xf32>
    %dot_general3A_39 = tpu.matmul %get3A_34, %get3A_37, %dot_general3A_38 {dimension_numbers = #tpu.dot_dimension_numbers<[1], [0], [0], [1], [0, 0, 1, 1], [], []>, transpose_lhs_hint = false} : vector<1024x128xf32>, vector<128x128xf32>, vector<1024x128xf32> -> vector<1024x128xf32>
    %add3A_40 = arith.addf %add3A_31, %dot_general3A_39 : vector<1024x128xf32>
    %max3A_41 = arith.constant 0.000000e+00 : f32
    %max3A_42 = vector.broadcast %max3A_41 : f32 to vector<1024x128xf32>
    %max3A_43 = arith.maximumf %add3A_40, %max3A_42 : vector<1024x128xf32>
    %swap3A = arith.constant 0 : index
    %swap3A_44 = arith.constant 0 : index
    %swap3A_45 = vector.load %arg7[%swap3A, %swap3A_44] : memref<1024x128xf32, #tpu.memory_space<vmem>>, vector<1024x128xf32>
    tpu.vector_store %arg7[%swap3A, %swap3A_44], %max3A_43 {strides = array<i32>} : memref<1024x128xf32, #tpu.memory_space<vmem>>, vector<1024x128xf32>,
    return
  }
  func.func @transform_0(%arg0: i32) -> (i32, i32, i32) {
    %c0_i32 = arith.constant 0 : i32
    %c0_i32_0 = arith.constant 0 : i32
    %c0_i32_1 = arith.constant 0 : i32
    return %c0_i32, %arg0, %c0_i32_0 : i32, i32, i32
  }
  func.func @transform_1(%arg0: i32) -> (i32, i32, i32) {
    %c0_i32 = arith.constant 0 : i32
    %c0_i32_0 = arith.constant 0 : i32
    %c0_i32_1 = arith.constant 0 : i32
    return %c0_i32, %arg0, %c0_i32_0 : i32, i32, i32
  }
  func.func @transform_2(%arg0: i32) -> (i32, i32) {
    %c0_i32 = arith.constant 0 : i32
    %c0_i32_0 = arith.constant 0 : i32
    return %arg0, %c0_i32 : i32, i32
  }
  func.func @transform_3(%arg0: i32) -> (i32, i32) {
    %c0_i32 = arith.constant 0 : i32
    %c0_i32_0 = arith.constant 0 : i32
    %c0_i32_1 = arith.constant 0 : i32
    return %c0_i32, %c0_i32_0 : i32, i32
  }
  func.func @transform_4(%arg0: i32) -> (i32, i32) {
    %c0_i32 = arith.constant 0 : i32
    %c0_i32_0 = arith.constant 0 : i32
    %c0_i32_1 = arith.constant 0 : i32
    return %c0_i32, %c0_i32_0 : i32, i32
  }
  func.func @transform_5(%arg0: i32) -> (i32, i32) {
    %c0_i32 = arith.constant 0 : i32
    %c0_i32_0 = arith.constant 0 : i32
    %c0_i32_1 = arith.constant 0 : i32
    return %c0_i32, %c0_i32_0 : i32, i32
  }
  func.func @transform_6(%arg0: i32) -> (i32, i32) {
    %c0_i32 = arith.constant 0 : i32
    %c0_i32_0 = arith.constant 0 : i32
    return %arg0, %c0_i32 : i32, i32
  }
}

module attributes {stable_mosaic.version = 14 : i64} {
  func.func @body(%arg0: memref<10240x128xf32, #tpu.memory_space<vmem>>, %arg1: memref<10240x1xi32, #tpu.memory_space<vmem>>, %arg2: memref<1x10240xi32, #tpu.memory_space<vmem>>, %arg3: memref<128x1xf32, #tpu.memory_space<vmem>>, %arg4: memref<128x128xf32, #tpu.memory_space<vmem>>, %arg5: memref<1x128xf32, #tpu.memory_space<vmem>>, %arg6: memref<128x1xf32, #tpu.memory_space<vmem>>, %arg7: memref<1x1xf32, #tpu.memory_space<vmem>>, %arg8: memref<64x1xf32, #tpu.memory_space<vmem>>) attributes {dimension_semantics = [], scalar_prefetch = 0 : i64, scratch_operands = 0 : i64, tpu.core_type = #tpu.core_type<tc>} {
    %get3A = arith.constant 0 : index
    %get3A_0 = arith.constant 0 : index
    %get3A_1 = vector.load %arg0[%get3A, %get3A_0] : memref<10240x128xf32, #tpu.memory_space<vmem>>, vector<10240x128xf32>
    %get3A_2 = arith.constant 0 : index
    %get3A_3 = arith.constant 0 : index
    %get3A_4 = vector.load %arg1[%get3A_2, %get3A_3] : memref<10240x1xi32, #tpu.memory_space<vmem>>, vector<10240x1xi32>
    %iota3A = tpu.iota {dimensions = array<i32: 1>} : vector<10240x64xi32>
    %eq3A = vector.broadcast %get3A_4 : vector<10240x1xi32> to vector<10240x64xi32>
    %eq3A_5 = arith.cmpi eq, %eq3A, %iota3A : vector<10240x64xi32>
    %convert_element_type3A = arith.extui %eq3A_5 : vector<10240x64xi1> to vector<10240x64xi32>
    %convert_element_type3A_6 = arith.sitofp %convert_element_type3A : vector<10240x64xi32> to vector<10240x64xf32>
    %get3A_7 = arith.constant 0 : index
    %get3A_8 = arith.constant 0 : index
    %get3A_9 = vector.load %arg3[%get3A_7, %get3A_8] : memref<128x1xf32, #tpu.memory_space<vmem>>, vector<128x1xf32>
    %mul3A = arith.mulf %get3A_9, %get3A_9 : vector<128x1xf32>
    %reduce_sum3A = vector.shape_cast %mul3A : vector<128x1xf32> to vector<1x128x1xf32>
    %reduce_sum3A_10 = arith.constant dense<0.000000e+00> : vector<1xf32>
    %reduce_sum3A_11 = vector.multi_reduction <add>, %reduce_sum3A, %reduce_sum3A_10 [1, 2] : vector<1x128x1xf32> to vector<1xf32>
    %reduce_sum3A_12 = vector.shape_cast %reduce_sum3A_11 : vector<1xf32> to vector<1x1x1xf32>
    %reduce_sum3A_13 = vector.extract %reduce_sum3A_12[0, 0, 0] : f32 from vector<1x1x1xf32>
    %sqrt3A = math.sqrt %reduce_sum3A_13 : f32
    %dot_general3A = arith.constant dense<0.000000e+00> : vector<10240x1xf32>
    %dot_general3A_14 = tpu.matmul %get3A_1, %get3A_9, %dot_general3A {dimension_numbers = #tpu.dot_dimension_numbers<[1], [0], [0], [1], [0, 0, 1, 1], [], []>, transpose_lhs_hint = false} : vector<10240x128xf32>, vector<128x1xf32>, vector<10240x1xf32> -> vector<10240x1xf32>
    %div3A = vector.broadcast %sqrt3A : f32 to vector<10240x1xf32>
    %div3A_15 = arith.divf %dot_general3A_14, %div3A : vector<10240x1xf32>
    %tanh3A = math.tanh %div3A_15 : vector<10240x1xf32>
    %reduce_sum3A_16 = arith.constant dense<0.000000e+00> : vector<64xf32>
    %reduce_sum3A_17 = vector.multi_reduction <add>, %convert_element_type3A_6, %reduce_sum3A_16 [0] : vector<10240x64xf32> to vector<64xf32>
    %broadcast_in_dim3A = vector.shape_cast %reduce_sum3A_17 : vector<64xf32> to vector<1x64xf32>
    %mul3A_18 = arith.constant 3.000000e-01 : f32
    %mul3A_19 = vector.broadcast %mul3A_18 : f32 to vector<1x64xf32>
    %mul3A_20 = arith.mulf %mul3A_19, %broadcast_in_dim3A : vector<1x64xf32>
    %ceil3A = math.ceil %mul3A_20 : vector<1x64xf32>
    %bitcast_convert_type3A = tpu.bitcast %tanh3A : vector<10240x1xf32> -> vector<10240x1xi32>
    %eq3A_21 = arith.constant -2147483648 : i32
    %eq3A_22 = vector.broadcast %eq3A_21 : i32 to vector<10240x1xi32>
    %eq3A_23 = arith.cmpi eq, %bitcast_convert_type3A, %eq3A_22 : vector<10240x1xi32>
    %jit3A = arith.constant 0 : i32
    %broadcast_in_dim3A_24 = vector.broadcast %jit3A : i32 to vector<10240x1xi32>
    %select_n3A = arith.select %eq3A_23, %broadcast_in_dim3A_24, %bitcast_convert_type3A : vector<10240x1xi1>, vector<10240x1xi32>
    %ge3A = arith.constant -2147483648 : i32
    %ge3A_25 = vector.broadcast %ge3A : i32 to vector<10240x1xi32>
    %ge3A_26 = arith.cmpi uge, %select_n3A, %ge3A_25 : vector<10240x1xi32>
    %not3A = arith.constant dense<-1> : vector<10240x1xi32>
    %not3A_27 = arith.xori %select_n3A, %not3A : vector<10240x1xi32>
    %or3A = arith.constant -2147483648 : i32
    %or3A_28 = vector.broadcast %or3A : i32 to vector<10240x1xi32>
    %or3A_29 = arith.ori %select_n3A, %or3A_28 : vector<10240x1xi32>
    %select_n3A_30 = arith.select %ge3A_26, %not3A_27, %or3A_29 : vector<10240x1xi1>, vector<10240x1xi32>
    %broadcast_in_dim3A_31 = arith.constant 0 : i32
    %broadcast_in_dim3A_32 = vector.broadcast %broadcast_in_dim3A_31 : i32 to vector<1x64xi32>
    %scan3A = arith.constant 0 : i32
    %scan3A_33 = arith.constant 32 : i32
    %scan3A_34 = arith.addi %scan3A, %scan3A_33 : i32
    %scan3A_35 = arith.constant 1 : i32
    %scan3A_36 = scf.for %scan3A_121 = %scan3A to %scan3A_34 step %scan3A_35 iter_args(%scan3A_122 = %broadcast_in_dim3A_32) -> (vector<1x64xi32>)  : i32 {
      %sub3A_123 = arith.constant 31 : i32
      %sub3A_124 = arith.subi %sub3A_123, %scan3A_121 : i32
      %shift_left3A = arith.constant 1 : i32
      %shift_left3A_125 = arith.shli %shift_left3A, %sub3A_124 : i32
      %or3A_126 = vector.broadcast %shift_left3A_125 : i32 to vector<1x64xi32>
      %or3A_127 = arith.ori %scan3A_122, %or3A_126 : vector<1x64xi32>
      %ge3A_128 = vector.broadcast %select_n3A_30 : vector<10240x1xi32> to vector<10240x64xi32>
      %ge3A_129 = vector.broadcast %or3A_127 : vector<1x64xi32> to vector<10240x64xi32>
      %ge3A_130 = arith.cmpi uge, %ge3A_128, %ge3A_129 : vector<10240x64xi32>
      %and3A_131 = arith.andi %ge3A_130, %eq3A_5 : vector<10240x64xi1>
      %jit3A_132 = arith.constant 1.000000e+00 : f32
      %jit3A_133 = arith.constant 0.000000e+00 : f32
      %broadcast_in_dim3A_134 = vector.broadcast %jit3A_132 : f32 to vector<10240x64xf32>
      %broadcast_in_dim3A_135 = vector.broadcast %jit3A_133 : f32 to vector<10240x64xf32>
      %select_n3A_136 = arith.select %and3A_131, %broadcast_in_dim3A_134, %broadcast_in_dim3A_135 : vector<10240x64xi1>, vector<10240x64xf32>
      %reduce_sum3A_137 = arith.constant dense<0.000000e+00> : vector<64xf32>
      %reduce_sum3A_138 = vector.multi_reduction <add>, %select_n3A_136, %reduce_sum3A_137 [0] : vector<10240x64xf32> to vector<64xf32>
      %broadcast_in_dim3A_139 = vector.shape_cast %reduce_sum3A_138 : vector<64xf32> to vector<1x64xf32>
      %ge3A_140 = arith.cmpf oge, %broadcast_in_dim3A_139, %ceil3A : vector<1x64xf32>
      %select_n3A_141 = arith.select %ge3A_140, %or3A_127, %scan3A_122 : vector<1x64xi1>, vector<1x64xi32>
      scf.yield %select_n3A_141 : vector<1x64xi32>
    }
    %scan3A_37 = arith.constant 32 : i32
    %gt3A = vector.broadcast %select_n3A_30 : vector<10240x1xi32> to vector<10240x64xi32>
    %gt3A_38 = vector.broadcast %scan3A_36 : vector<1x64xi32> to vector<10240x64xi32>
    %gt3A_39 = arith.cmpi ugt, %gt3A, %gt3A_38 : vector<10240x64xi32>
    %and3A = arith.andi %gt3A_39, %eq3A_5 : vector<10240x64xi1>
    %eq3A_40 = vector.broadcast %select_n3A_30 : vector<10240x1xi32> to vector<10240x64xi32>
    %eq3A_41 = vector.broadcast %scan3A_36 : vector<1x64xi32> to vector<10240x64xi32>
    %eq3A_42 = arith.cmpi eq, %eq3A_40, %eq3A_41 : vector<10240x64xi32>
    %and3A_43 = arith.andi %eq3A_42, %eq3A_5 : vector<10240x64xi1>
    %jit3A_44 = arith.constant 1.000000e+00 : f32
    %jit3A_45 = arith.constant 0.000000e+00 : f32
    %broadcast_in_dim3A_46 = vector.broadcast %jit3A_44 : f32 to vector<10240x64xf32>
    %broadcast_in_dim3A_47 = vector.broadcast %jit3A_45 : f32 to vector<10240x64xf32>
    %select_n3A_48 = arith.select %and3A, %broadcast_in_dim3A_46, %broadcast_in_dim3A_47 : vector<10240x64xi1>, vector<10240x64xf32>
    %reduce_sum3A_49 = arith.constant dense<0.000000e+00> : vector<64xf32>
    %reduce_sum3A_50 = vector.multi_reduction <add>, %select_n3A_48, %reduce_sum3A_49 [0] : vector<10240x64xf32> to vector<64xf32>
    %broadcast_in_dim3A_51 = vector.shape_cast %reduce_sum3A_50 : vector<64xf32> to vector<1x64xf32>
    %sub3A = arith.subf %ceil3A, %broadcast_in_dim3A_51 : vector<1x64xf32>
    %iota3A_52 = tpu.iota {dimensions = array<i32: 0>} : vector<10240x1xi32>
    %broadcast_in_dim3A_53 = arith.constant 0 : i32
    %broadcast_in_dim3A_54 = vector.broadcast %broadcast_in_dim3A_53 : i32 to vector<1x64xi32>
    %scan3A_55 = arith.constant 0 : i32
    %scan3A_56 = arith.constant 14 : i32
    %scan3A_57 = arith.addi %scan3A_55, %scan3A_56 : i32
    %scan3A_58 = arith.constant 1 : i32
    %scan3A_59 = scf.for %scan3A_121 = %scan3A_55 to %scan3A_57 step %scan3A_58 iter_args(%scan3A_122 = %broadcast_in_dim3A_54) -> (vector<1x64xi32>)  : i32 {
      %sub3A_123 = arith.constant 13 : i32
      %sub3A_124 = arith.subi %sub3A_123, %scan3A_121 : i32
      %shift_left3A = arith.constant 1 : i32
      %shift_left3A_125 = arith.shli %shift_left3A, %sub3A_124 : i32
      %or3A_126 = vector.broadcast %shift_left3A_125 : i32 to vector<1x64xi32>
      %or3A_127 = arith.ori %scan3A_122, %or3A_126 : vector<1x64xi32>
      %lt3A_128 = vector.broadcast %iota3A_52 : vector<10240x1xi32> to vector<10240x64xi32>
      %lt3A_129 = vector.broadcast %or3A_127 : vector<1x64xi32> to vector<10240x64xi32>
      %lt3A_130 = arith.cmpi slt, %lt3A_128, %lt3A_129 : vector<10240x64xi32>
      %and3A_131 = arith.andi %lt3A_130, %and3A_43 : vector<10240x64xi1>
      %jit3A_132 = arith.constant 1.000000e+00 : f32
      %jit3A_133 = arith.constant 0.000000e+00 : f32
      %broadcast_in_dim3A_134 = vector.broadcast %jit3A_132 : f32 to vector<10240x64xf32>
      %broadcast_in_dim3A_135 = vector.broadcast %jit3A_133 : f32 to vector<10240x64xf32>
      %select_n3A_136 = arith.select %and3A_131, %broadcast_in_dim3A_134, %broadcast_in_dim3A_135 : vector<10240x64xi1>, vector<10240x64xf32>
      %reduce_sum3A_137 = arith.constant dense<0.000000e+00> : vector<64xf32>
      %reduce_sum3A_138 = vector.multi_reduction <add>, %select_n3A_136, %reduce_sum3A_137 [0] : vector<10240x64xf32> to vector<64xf32>
      %broadcast_in_dim3A_139 = vector.shape_cast %reduce_sum3A_138 : vector<64xf32> to vector<1x64xf32>
      %le3A = arith.cmpf ole, %broadcast_in_dim3A_139, %sub3A : vector<1x64xf32>
      %select_n3A_140 = arith.select %le3A, %or3A_127, %scan3A_122 : vector<1x64xi1>, vector<1x64xi32>
      scf.yield %select_n3A_140 : vector<1x64xi32>
    }
    %scan3A_60 = arith.constant 14 : i32
    %lt3A = vector.broadcast %iota3A_52 : vector<10240x1xi32> to vector<10240x64xi32>
    %lt3A_61 = vector.broadcast %scan3A_59 : vector<1x64xi32> to vector<10240x64xi32>
    %lt3A_62 = arith.cmpi slt, %lt3A, %lt3A_61 : vector<10240x64xi32>
    %and3A_63 = arith.andi %and3A_43, %lt3A_62 : vector<10240x64xi1>
    %or3A_64 = arith.ori %and3A, %and3A_63 : vector<10240x64xi1>
    %jit3A_65 = arith.constant 1.000000e+00 : f32
    %jit3A_66 = arith.constant 0.000000e+00 : f32
    %broadcast_in_dim3A_67 = vector.broadcast %jit3A_65 : f32 to vector<10240x64xf32>
    %broadcast_in_dim3A_68 = vector.broadcast %jit3A_66 : f32 to vector<10240x64xf32>
    %select_n3A_69 = arith.select %or3A_64, %broadcast_in_dim3A_67, %broadcast_in_dim3A_68 : vector<10240x64xi1>, vector<10240x64xf32>
    %reduce_sum3A_70 = arith.constant dense<0.000000e+00> : vector<10240xf32>
    %reduce_sum3A_71 = vector.multi_reduction <add>, %select_n3A_69, %reduce_sum3A_70 [1] : vector<10240x64xf32> to vector<10240xf32>
    %broadcast_in_dim3A_72 = vector.shape_cast %reduce_sum3A_71 : vector<10240xf32> to vector<10240x1xf32>
    %get3A_73 = arith.constant 0 : index
    %get3A_74 = arith.constant 0 : index
    %get3A_75 = vector.load %arg2[%get3A_73, %get3A_74] : memref<1x10240xi32, #tpu.memory_space<vmem>>, vector<1x10240xi32>
    %iota3A_76 = tpu.iota {dimensions = array<i32: 0>} : vector<64x10240xi32>
    %eq3A_77 = vector.broadcast %get3A_75 : vector<1x10240xi32> to vector<64x10240xi32>
    %eq3A_78 = arith.cmpi eq, %eq3A_77, %iota3A_76 : vector<64x10240xi32>
    %convert_element_type3A_79 = arith.extui %eq3A_78 : vector<64x10240xi1> to vector<64x10240xi32>
    %convert_element_type3A_80 = arith.sitofp %convert_element_type3A_79 : vector<64x10240xi32> to vector<64x10240xf32>
    %reduce_sum3A_81 = arith.constant dense<0.000000e+00> : vector<64xf32>
    %reduce_sum3A_82 = vector.multi_reduction <add>, %convert_element_type3A_80, %reduce_sum3A_81 [1] : vector<64x10240xf32> to vector<64xf32>
    %broadcast_in_dim3A_83 = vector.shape_cast %reduce_sum3A_82 : vector<64xf32> to vector<64x1xf32>
    %mul3A_84 = arith.constant 3.000000e-01 : f32
    %mul3A_85 = vector.broadcast %mul3A_84 : f32 to vector<64x1xf32>
    %mul3A_86 = arith.mulf %mul3A_85, %broadcast_in_dim3A_83 : vector<64x1xf32>
    %ceil3A_87 = math.ceil %mul3A_86 : vector<64x1xf32>
    %mul3A_88 = arith.mulf %tanh3A, %broadcast_in_dim3A_72 : vector<10240x1xf32>
    %mul3A_89 = vector.broadcast %mul3A_88 : vector<10240x1xf32> to vector<10240x128xf32>
    %mul3A_90 = arith.mulf %get3A_1, %mul3A_89 : vector<10240x128xf32>
    %dot_general3A_91 = arith.constant dense<0.000000e+00> : vector<64x128xf32>
    %dot_general3A_92 = tpu.matmul %convert_element_type3A_80, %mul3A_90, %dot_general3A_91 {dimension_numbers = #tpu.dot_dimension_numbers<[1], [0], [0], [1], [0, 0, 1, 1], [], []>, transpose_lhs_hint = false} : vector<64x10240xf32>, vector<10240x128xf32>, vector<64x128xf32> -> vector<64x128xf32>
    %max3A = arith.constant 1.000000e+00 : f32
    %max3A_93 = vector.broadcast %max3A : f32 to vector<64x1xf32>
    %max3A_94 = arith.maximumf %ceil3A_87, %max3A_93 : vector<64x1xf32>
    %div3A_95 = vector.broadcast %max3A_94 : vector<64x1xf32> to vector<64x128xf32>
    %div3A_96 = arith.divf %dot_general3A_92, %div3A_95 : vector<64x128xf32>
    %get3A_97 = arith.constant 0 : index
    %get3A_98 = arith.constant 0 : index
    %get3A_99 = vector.load %arg4[%get3A_97, %get3A_98] : memref<128x128xf32, #tpu.memory_space<vmem>>, vector<128x128xf32>
    %dot_general3A_100 = arith.constant dense<0.000000e+00> : vector<64x128xf32>
    %dot_general3A_101 = tpu.matmul %div3A_96, %get3A_99, %dot_general3A_100 {dimension_numbers = #tpu.dot_dimension_numbers<[1], [0], [0], [1], [0, 0, 1, 1], [], []>, transpose_lhs_hint = false} : vector<64x128xf32>, vector<128x128xf32>, vector<64x128xf32> -> vector<64x128xf32>
    %get3A_102 = arith.constant 0 : index
    %get3A_103 = arith.constant 0 : index
    %get3A_104 = vector.load %arg5[%get3A_102, %get3A_103] : memref<1x128xf32, #tpu.memory_space<vmem>>, vector<1x128xf32>
    %add3A = vector.broadcast %get3A_104 : vector<1x128xf32> to vector<64x128xf32>
    %add3A_105 = arith.addf %dot_general3A_101, %add3A : vector<64x128xf32>
    %max3A_106 = arith.constant 0.000000e+00 : f32
    %max3A_107 = vector.broadcast %max3A_106 : f32 to vector<64x128xf32>
    %max3A_108 = arith.maximumf %add3A_105, %max3A_107 : vector<64x128xf32>
    %get3A_109 = arith.constant 0 : index
    %get3A_110 = arith.constant 0 : index
    %get3A_111 = vector.load %arg6[%get3A_109, %get3A_110] : memref<128x1xf32, #tpu.memory_space<vmem>>, vector<128x1xf32>
    %dot_general3A_112 = arith.constant dense<0.000000e+00> : vector<64x1xf32>
    %dot_general3A_113 = tpu.matmul %max3A_108, %get3A_111, %dot_general3A_112 {dimension_numbers = #tpu.dot_dimension_numbers<[1], [0], [0], [1], [0, 0, 1, 1], [], []>, transpose_lhs_hint = false} : vector<64x128xf32>, vector<128x1xf32>, vector<64x1xf32> -> vector<64x1xf32>
    %get3A_114 = arith.constant 0 : index
    %get3A_115 = arith.constant 0 : index
    %get3A_116 = vector.load %arg7[%get3A_114, %get3A_115] : memref<1x1xf32, #tpu.memory_space<vmem>>, vector<1x1xf32>
    %add3A_117 = vector.broadcast %get3A_116 : vector<1x1xf32> to vector<64x1xf32>
    %add3A_118 = arith.addf %dot_general3A_113, %add3A_117 : vector<64x1xf32>
    %swap3A = arith.constant 0 : index
    %swap3A_119 = arith.constant 0 : index
    %swap3A_120 = vector.load %arg8[%swap3A, %swap3A_119] : memref<64x1xf32, #tpu.memory_space<vmem>>, vector<64x1xf32>
    tpu.vector_store %arg8[%swap3A, %swap3A_119], %add3A_118 {strides = array<i32>} : memref<64x1xf32, #tpu.memory_space<vmem>>, vector<64x1xf32>,
    return
  }
}

</mosaic_0001>

<sc_bundles>
// kernel: kernel.10.cloned.1.call-start
scs
__scs_entry_jumppad:
0x0: {  	(pc) =	sbr.rel $0x88, $3  }
0x1: {  	(tag) =	ssettag $0x0;
	lr =	simm.s32 $0x1  }
0x2: {  	[smem:$0x3F93] =	sst lr;
	_ =	strace $0xD0000000  }
0x3: {  	_ = 	snop  }
0x4: {  	_ = 	snop  }
0x5: {  	_ = 	snop  }
0x6: {  	_ = 	snop  }
0x7: {  	_ = 	snop  }
__scs_overlays_trampoline_lowered:
0x8: {  	[smem:$0x3FA2] =	sst s0  }
0x9: {  	[smem:$0x3FA3] =	sst s1  }
0xa: {  	[smem:$0x3FA4] =	sst s2  }
0xb: {  	[smem:$0x3FA5] =	sst s3  }
0xc: {  	[smem:$0x3FA6] =	sst s4  }
0xd: {  	[smem:$0x3FA7] =	sst s5  }
0xe: {  	[smem:$0x3FA8] =	sst s6  }
0xf: {  	[smem:$0x3FA9] =	sst s7  }
0x10: {  	[smem:$0x3FAA] =	sst s8  }
0x11: {  	[smem:$0x3FAB] =	sst s9;
	s0 =	simm.s32 @!p0 $0x0  }
0x12: {  	s1 =	sld [smem:$0x3F91];
	s0 =	simm.s32 @p0 $0x1  }
0x13: {  	[smem:$0x3FAC] =	sst s0;
	s0 =	simm.s32 @!p1 $0x0  }
0x14: {  	s2 =	sld [smem:$0x3F90];
	s0 =	simm.s32 @p1 $0x1  }
0x15: {  	[smem:$0x3FAD] =	sst s0;
	s0 =	simm.s32 @!p2 $0x0  }
0x16: {  	s3 =	sld [smem:$0x3FDB];
	s0 =	simm.s32 @p2 $0x1  }
0x17: {  	s4 =	simm.s32 $0x1BF5;
	[smem:$0x3FAF] =	sst s0  }
0x18: {  	s0 =	sld [smem:$0x3F92];
	_ =	swait.ge [sflag:s4], $0x0  }
0x19: {  	s7 =	sld [smem:$0x3F93]  }
0x1a: {  	s8 =	sadd.s32 $0xFFFFE003, lr  }
0x1b: {  	s9 =	sadd.s32 $0xFFFFFEF7, lr;
	s5 =	simm.s32 $0xFFFFFFFF;
	p2 =	slt.u32 s8, $0xFFFFF086  }
0x1c: {  	p1 =	slt.u32 s9, $0xF7A;
	s5 =	simm.s32 @!p2 $0x0  }
0x1d: {  	s5 =	simm.s32 @p1 $0x1;
	p0 =	seq.s32 s7, s2  }
0x1e: {  	s7 =	smul.u32 @!p0 $0xF7A, s2;
	p2 =	seq.s32 @!p0 s5, $0x0  }
0x1f: {  	s9 =	smul.u32 $0xF7A, s1;
	s8 =	simm.s32 @!p0 $0x1BF5;
	p2 =	por !p2, p0  }
0x20: {  	[sflag:s8] =	ssyncset.s32 @!p0 $0xFFFFF086;
	s6 =	sadd.s32 @!p0 s3, s7;
	s7 =	simm.s32 @!p0 $0x108  }
0x21: {  	s3 =	sadd.s32 s3, s9;
	s6 =	sadd.s32 @!p0 $0x88, s6;
	s7 =	simm.s32 @p2 $0x1082  }
0x22: {  	[simem:s7], [sflag:s8] =	dma.local @!p0 [hbm:s6], $0xF7A  }
0x23: {  	s9 =	sor.u32 $0xD0000000, s2;
	s6 =	simm.s32 $0x108;
	_ =	swait.ge @!p0 [sflag:s8], $0x0  }
0x24: {  	s3 =	sadd.s32 $0x88, s3;
	s6 =	simm.s32 @!p1 $0x1082;
	[sflag:s4] =	ssyncset.s32 $0xFFFFF086  }
0x25: {  	[simem:s6], [sflag:s4] =	dma.local [hbm:s3], $0xF7A  }
0x26: {  	[smem:$0x3F93] =	sst s1;
	(tag) =	ssettag s2;
	_ =	strace s9  }
0x27: {  	s1 =	sld [smem:$0x3FA3]  }
0x28: {  	s2 =	sld [smem:$0x3FA4]  }
0x29: {  	s4 =	sld [smem:$0x3FA6]  }
0x2a: {  	p0 =	seq.s32 s5, $0x0;
	s5 =	sld [smem:$0x3FA7]  }
0x2b: {  	s6 =	sld [smem:$0x3FA8]  }
0x2c: {  	s7 =	sld [smem:$0x3FA9]  }
0x2d: {  	s3 =	simm.s32 $0x108;
	s8 =	sld [smem:$0x3FAA]  }
0x2e: {  	s3 =	simm.s32 @!p0 $0x1082;
	s9 =	sld [smem:$0x3FAB]  }
0x2f: {  	lr =	sadd.s32 s0, s3;
	s0 =	sld [smem:$0x3FA2]  }
0x30: {  	s3 =	sld [smem:$0x3FA5]  }
0x31: {  	[smem:$0x3FAE] =	sst s10  }
0x32: {  	s10 =	sld [smem:$0x3FAC];
	_ =	sdelay $0x3  }
0x33: {  	p0 =	seq.s32 s10, $0x1;
	s10 =	sld [smem:$0x3FAE];
	_ =	sdelay $0x3  }
0x34: {  	[smem:$0x3FAE] =	sst s10  }
0x35: {  	s10 =	sld [smem:$0x3FAD];
	_ =	sdelay $0x3  }
0x36: {  	p1 =	seq.s32 s10, $0x1;
	s10 =	sld [smem:$0x3FAE];
	_ =	sdelay $0x3  }
0x37: {  	[smem:$0x3FAE] =	sst s10  }
0x38: {  	s10 =	sld [smem:$0x3FAF]  }
0x39: {  	_ = 	snop;
	(pc) =	sbr.ind lr, $3  }
0x3a: {  	_ = 	snop  }
0x3b: {  	_ = 	snop  }
0x3c: {  	p2 =	seq.s32 s10, $0x1;
	s10 =	sld [smem:$0x3FAE]  }
0x3d: {  	_ =	shalt  }
0x3e: {  	_ =	shalt  }
0x3f: {  	_ =	shalt  }
0x40: {  	_ =	shalt  }
0x41: {  	_ =	shalt  }
0x42: {  	_ =	shalt  }
0x43: {  	_ =	shalt  }
0x44: {  	_ =	shalt  }
0x45: {  	_ =	shalt  }
0x46: {  	_ =	shalt  }
0x47: {  	_ =	shalt  }
0x48: {  	_ =	shalt  }
0x49: {  	_ =	shalt  }
0x4a: {  	_ =	shalt  }
0x4b: {  	_ =	shalt  }
0x4c: {  	_ =	shalt  }
0x4d: {  	_ =	shalt  }
0x4e: {  	_ =	shalt  }
0x4f: {  	_ =	shalt  }
0x50: {  	_ =	shalt  }
0x51: {  	_ =	shalt  }
0x52: {  	_ =	shalt  }
0x53: {  	_ =	shalt  }
0x54: {  	_ =	shalt  }
0x55: {  	_ =	shalt  }
0x56: {  	_ =	shalt  }
0x57: {  	_ =	shalt  }
0x58: {  	_ =	shalt  }
0x59: {  	_ =	shalt  }
0x5a: {  	_ =	shalt  }
0x5b: {  	_ =	shalt  }
0x5c: {  	_ =	shalt  }
0x5d: {  	_ =	shalt  }
0x5e: {  	_ =	shalt  }
0x5f: {  	_ =	shalt  }
0x60: {  	_ =	shalt  }
0x61: {  	_ =	shalt  }
0x62: {  	_ =	shalt  }
0x63: {  	_ =	shalt  }
0x64: {  	_ =	shalt  }
0x65: {  	_ =	shalt  }
0x66: {  	_ =	shalt  }
0x67: {  	_ =	shalt  }
0x68: {  	_ =	shalt  }
0x69: {  	_ =	shalt  }
0x6a: {  	_ =	shalt  }
0x6b: {  	_ =	shalt  }
0x6c: {  	_ =	shalt  }
0x6d: {  	_ =	shalt  }
0x6e: {  	_ =	shalt  }
0x6f: {  	_ =	shalt  }
0x70: {  	_ =	shalt  }
0x71: {  	_ =	shalt  }
0x72: {  	_ =	shalt  }
0x73: {  	_ =	shalt  }
0x74: {  	_ =	shalt  }
0x75: {  	_ =	shalt  }
0x76: {  	_ =	shalt  }
0x77: {  	_ =	shalt  }
0x78: {  	_ =	shalt  }
0x79: {  	_ =	shalt  }
0x7a: {  	_ =	shalt  }
0x7b: {  	_ =	shalt  }
0x7c: {  	_ =	shalt  }
0x7d: {  	_ =	shalt  }
0x7e: {  	_ =	shalt  }
0x7f: {  	_ =	shalt  }
0x80: {  	_ =	shalt  }
0x81: {  	_ =	shalt  }
0x82: {  	_ =	shalt  }
0x83: {  	_ =	shalt  }
0x84: {  	_ =	shalt  }
0x85: {  	_ =	shalt  }
0x86: {  	_ =	shalt  }
0x87: {  	_ =	shalt  }
.Lfunc_end0:
.L_simem_size_0:
called_computation.1_lowered:
.L_overlay_start_0:
0x88: {  	s2 =	sld [smem:$0x3FD9]  }
0x89: {  	s3 =	sld [smem:$0x3FFE];
	_ =	sdelay $0x1  }
0x8a: {  	s1 =	srdreg.scid  }
0x8b: {  	s0 =	sand.u32 $0x1, s1  }
0x8c: {  	s16 =	sshll.u32 s0, $0xA;
	s2 =	sadd.s32 s3, s2  }
0x8d: {  	s2 =	sadd.s32 s2, s16  }
0x8e: {  	[smem:$0x3FBA] =	sst s2  }
0x8f: {  	_ = 	snop  }
0x90: {  	(tm) =	ssettm $0x1  }
0x91: {  	s17 =	sld [smem:$0x3FFB];
	_ =	sdelay $0x3  }
0x92: {  	_ =	strace s17  }
0x93: {  	s2 =	sld [smem:$0x3FFC];
	_ =	sdelay $0x3  }
0x94: {  	_ =	strace s2  }
0x95: {  	s2 =	sld [smem:$0x3FFD];
	_ =	sdelay $0x3  }
0x96: {  	_ =	strace s2  }
0x97: {  	_ =	strace $0x8FFFFFFF  }
0x98: {  	s18 =	sld [smem:$0x3FDB];
	_ =	sdelay $0x1  }
0x99: {  	s19 =	simm.s32 $_scs_section_size  }
0x9a: {  	s4 =	simm.s32 $_size__tile_overlayer_lowered;
	s5 =	simm.s32 $_tile_overlayer_lowered  }
0x9b: {  	s22 =	simm.s32 $0x1BFF;
	s21 =	sshll.u32 s5, $0x1;
	s2 =	sadd.s32 s19, s18  }
0x9c: {  	s6 =	simm.s32 $0x0;
	s20 =	sshll.u32 s4, $0x1;
	s4 =	sadd.s32 s21, s2  }
0x9d: {  	[timem:s6], [sflag:s22] =	dma.local [hbm:s4], s20  }
0x9e: {  	_ =	swait.ge [sflag:s22], s20  }
0x9f: {  	s3 =	ssub.s32 $0x0, s20;
	[sflag:s22] =	ssyncset.done $0x0  }
0xa0: {  	[sflag:s22] =	ssyncadd.s32 s3;
	_ =	sdelay $0x1  }
0xa1: {  	s23 =	simm.s32 $0x1B8B  }
0xa2: {  	_ =	swait.ge [sflag:s23], $0x1  }
0xa3: {  	[sflag:s23] =	ssyncset.done $0x0  }
0xa4: {  	s25 =	simm.s32 $0x1B8E;
	s24 =	sld [smem:$0x3FFE];
	[sflag:s23] =	ssyncadd.s32 $0xFFFFFFFF  }
0xa5: {  	s26 =	simm.s32 $execute0_lowered;
	[smem:$0x3FD2] =	sst s25  }
0xa6: {  	s4 =	sshll.u32 s26, $0x1;
	_ =	strace $0x80000049;
	[dreg:$0x1] =	wrdreg $0xFFFFFFFF  }
0xa7: {  	s28 =	simm.s32 $_size_execute0_lowered;
	s2 =	sadd.s32 s2, s4;
	[dreg:$0x0] =	wrdreg $0x0  }
0xa8: {  	s4 =	sshll.u32 s28, $0x1;
	[dreg:$0x2] =	wrdreg s2  }
0xa9: {  	[dreg:$0x3] =	wrdreg s4  }
0xaa: {  	[dreg:$0x4] =	wrdreg $0xC0  }
0xab: {  	_ =	task [dreg:s6], $0x5FFFF  }
0xac: {  	[dreg:$0x1] =	wrdreg $0xFFFFFFFF  }
0xad: {  	[dreg:$0x0] =	wrdreg $0x60  }
0xae: {  	[dreg:$0x2] =	wrdreg s24  }
0xaf: {  	[dreg:$0x3] =	wrdreg $0xA8000  }
0xb0: {  	[dreg:$0x4] =	wrdreg $0x9  }
0xb1: {  	_ =	task.clear_ibuf [dreg:s6], $0x5FFFF;
	_ =	strace $0x90000049  }
0xb2: {  	s29 =	simm.s32 $0x9;
	_ =	strace $0x8000004B  }
0xb3: {  	_ =	swait.ge [sflag:s29], $0x1  }
0xb4: {  	[sflag:s29] =	ssyncadd.s32 $0xFFFFFFFF  }
0xb5: {  	_ =	strace $0x9000004B  }
0xb6: {  	_ =	sfence  }
0xb7: {  	s30 =	sld [smem:$0x0];
	_ =	sdelay $0x2  }
0xb8: {  	s31 =	sshll.u32 s1, $0xD;
	s1 =	sshrl.u32 s1, $0x2  }
0xb9: {  	s3 =	sand.u32 $0x4000, s31;
	s1 =	sadd.s32 s1, s30  }
0xba: {  	s0 =	sor.u32 s3, s0;
	s1 =	sshll.u32 s1, $0x11  }
0xbb: {  	s0 =	sor.u32 s1, s0  }
0xbc: {  	s0 =	sadd.s32 $0x8F2B, s0  }
0xbd: {  	[sflag:s0] =	ssyncadd.remote.s32 $0x1  }
0xbe: {  	_ =	sfence.sel $0xFFFF  }
0xbf: {  	[dreg:$0x0] =	wrdreg $0xFFFFFFFF;
	(pc) =	sbr.abs _section_cstart, $3  }
0xc0: {  	[dreg:$0x1] =	wrdreg $0xFFFFFFFF  }
0xc1: {  	_ =	task.clear_ibuf [dreg:s6], $0x2FFFF;
	_ =	strace $0x9FFFFFFF  }
0xc2: {  	(tm) =	ssettm $0x7FFFFFFF  }
0xc3: {  	_ =	shalt  }
tec
execute0_lowered:
.L_overlay_start_1:
0x0: {  	(tag) =	ssettag $0x1  }
0x1: {  	s5 =	rddreg [dreg:$0x0]  }
0x2: {  	s1 =	rddreg [dreg:$0x1]  }
0x3: {  	s0 =	rddreg [dreg:$0x2]  }
0x4: {  	s3 =	simm.s32 $0x0;
	s4 =	srdreg.scid;
	s2 =	stileid.u32  }
0x5: {  	s15 =	simm.s32 $0x8000;
	s16 =	simm.s32 $0x1;
	s17 =	simm.s32 $0x0  }
0x6: {  	[smem:$0x7FF] =	sst s3;
	s6 =	sand.u32 $0x1, s4;
	s9 =	smul.u32 $0x2800, s2  }
0x7: {  	s8 =	sshll.u32 s2, $0xB;
	s4 =	sadd.s32 $0x22600, s5;
	s28 =	smul.u32 $0x50000, s2  }
0x8: {  	s31 =	sshll.u32 s2, $0x6;
	_ =	strace $0x8000004A;
	s7 =	sshll.u32 s6, $0xF  }
0x9: {  	s26 =	smul.u32 $0x28000, s6;
	s6 =	ssub.s32 $0x2, s6;
	s7 =	sor.u32 s8, s7  }
0xa: {  	s11 =	sadd.s32 s9, s5;
	s29 =	sshrl.u32 s6, $0x1;
	s30 =	sshrl.u32 s28, $0x2  }
0xb: {  	s10 =	sadd.s32 s7, s5;
	s8 =	sadd.s32 s9, s26;
	s13 =	ssub.s32 s6, s29  }
0xc: {  	s14 =	sadd.s32 s30, s1;
	s6 =	sor.u32 $0x1C02, s31;
	s12 =	sadd.s32 s8, s5  }
0xd: {  	s5 =	sadd.s32 $0x4A600, s11;
	s7 =	sadd.s32 $0x2600, s10;
	s8 =	sadd.s32 $0x12600, s10  }
0xe: {  	s10 =	smax.u32 s13, $0x1;
	s11 =	sshrl.u32 s14, $0x3;
	s13 =	simm.s32 $0x4000  }
0xf: {  	s14 =	simm.s32 $0x50;
	s9 =	sadd.s32 $0x72600, s12;
	s12 =	simm.s32 $0x2  }
.LBB2_1:
0x10: {  	[spmem:s11], [sflag:s6] =	dma.local [hbm:s5], $0x2800  }
0x11: {  	_ =	swait.ge [sflag:s12], $0x2800  }
0x12: {  	[sflag:s12] =	ssyncset.done $0x0  }
0x13: {  	[sflag:s12] =	ssyncadd.s32 $0xFFFFD800  }
0x14: {  	[tilespmem:s3], [sflag:$0x2] =	stream.linear.gather [hbm4b:s7+s3], $0x3E80, $0x38;
	[tilespmem:$0x1E800] =	vst v63  }
0x15: {  	_ =	swait.ge [sflag:s12], $0x3E80  }
0x16: {  	[sflag:s12] =	ssyncset.done $0x0  }
0x17: {  	[sflag:s12] =	ssyncadd.s32 $0xFFFFC180  }
0x18: {  	[tilespmem:s13], [sflag:$0x2] =	stream.linear.gather [hbm4b:s8+s3], $0x3E80, $0x38;
	[tilespmem:$0x1E800] =	vst v63  }
0x19: {  	_ =	swait.ge [sflag:s12], $0x3E80  }
0x1a: {  	[sflag:s12] =	ssyncset.done $0x0  }
0x1b: {  	[sflag:s12] =	ssyncadd.s32 $0xFFFFC180  }
0x1c: {  	s18 =	simm.s32 $0x0;
	[bflag:$0x0] =	sbarrier.arrive $0xFFFF  }
0x1d: {  	[tilespmem:s15], [sflag:$0x1] =	stream.indirect.gather [hbm4b:s4+s14], $0x80, s18, s14, $0xb8;
	[tilespmem:$0x1E800] =	vst v63  }
0x1e: {  	_ =	swait.ge [sflag:s16], $0x2800  }
0x1f: {  	[sflag:s16] =	ssyncset.done $0x0  }
0x20: {  	s31 =	simm.s32 $0x4000;
	[sflag:s16] =	ssyncadd.s32 $0xFFFFD800  }
0x21: {  	[spmem:s1] =	stream.indirect.scatter.add.f32 [tilespmem:s15], [sflag:$0x2], $0x80, s31, s14, $0xb8;
	[tilespmem:$0x1E800] =	vst v63  }
0x22: {  	_ =	swait.ge [sflag:s12], $0x2800  }
0x23: {  	s19 =	simm.s32 $0x400;
	s18 =	simm.s32 $0x200;
	[sflag:s12] =	ssyncset.done $0x0  }
.LBB2_2:
0x24: {  	s20 =	sshra.s32 s18, $0x2  }
0x25: {  	[sflag:s12] =	ssyncadd.s32 $0xFFFFD800;
	s18 =	smov.u32 s19;
	s21 =	sadd.s32 $0x200, s19  }
0x26: {  	[tilespmem:s15], [sflag:$0x1] =	stream.indirect.gather [hbm4b:s4+s14], $0x80, s20, s14, $0xb8;
	[tilespmem:$0x1E800] =	vst v63  }
0x27: {  	p0 =	sne.s32 s19, $0xF800;
	_ =	swait.ge [sflag:s16], $0x2800  }
.Ltmp0:
0x28: {  	[sflag:s16] =	ssyncset.done $0x0;
	(pc) =	sbr.rel @p0 .LBB2_2-.Ltmp0, $4  }
0x29: {  	s19 =	sadd.s32 $0x4000, s20;
	[sflag:s16] =	ssyncadd.s32 $0xFFFFD800  }
0x2a: {  	[spmem:s1] =	stream.indirect.scatter.add.f32 [tilespmem:s15], [sflag:$0x2], $0x80, s19, s14, $0xb8;
	[tilespmem:$0x1E800] =	vst v63  }
0x2b: {  	_ =	swait.ge [sflag:s12], $0x2800  }
0x2c: {  	s19 =	smov.u32 s21;
	[sflag:s12] =	ssyncset.done $0x0  }
0x2d: {  	s18 =	sshra.s32 s18, $0x2;
	[sflag:s12] =	ssyncadd.s32 $0xFFFFD800  }
0x2e: {  	[tilespmem:s15], [sflag:$0x1] =	stream.indirect.gather [hbm4b:s4+s14], $0x80, s18, s14, $0xb8;
	[tilespmem:$0x1E800] =	vst v63  }
0x2f: {  	_ =	swait.ge [sflag:s16], $0x2800  }
0x30: {  	[sflag:s16] =	ssyncset.done $0x0  }
0x31: {  	s18 =	sadd.s32 $0x4000, s18;
	[sflag:s16] =	ssyncadd.s32 $0xFFFFD800  }
0x32: {  	[spmem:s1] =	stream.indirect.scatter.add.f32 [tilespmem:s15], [sflag:$0x2], $0x80, s18, s14, $0xb8;
	[tilespmem:$0x1E800] =	vst v63  }
0x33: {  	_ =	swait.ge [sflag:s12], $0x2800  }
0x34: {  	s17 =	sadd.s32 $0x1, s17;
	[sflag:s12] =	ssyncset.done $0x0  }
0x35: {  	p0 =	sne.s32 s17, s10;
	[sflag:s12] =	ssyncadd.s32 $0xFFFFD800  }
.Ltmp1:
0x36: {  	[bflag:$0x0] =	sbarrier.arrive $0xFFFF;
	(pc) =	sbr.rel @p0 .LBB2_1-.Ltmp1, $4  }
0x37: {  	[hbm:s9], [sflag:s6] =	dma.local [spmem:s11], $0x2800  }
0x38: {  	_ =	swait.ge [sflag:s12], $0x2800  }
0x39: {  	[sflag:s12] =	ssyncset.done $0x0  }
0x3a: {  	[sflag:s12] =	ssyncadd.s32 $0xFFFFD800  }
0x3b: {  	_ =	sfence.sel $0x180000  }
0x3c: {  	[bflag:$0x0] =	sbarrier.arrive $0xFFFF  }
0x3d: {  	p0 =	sne.s32 s2, $0x0;
	_ =	strace $0x9000004A  }
0x3e: {  	s0 =	sadd.s32 @!p0 $0x100000, s0;
	[bflag:$0x2] =	sbarrier.arrive $0xFFFF  }
0x3f: {  	[sflag:s0] =	ssyncadd.tile.s32 @!p0 $0x1;
	_ =	shalt  }
.Lfunc_end2:
_tile_overlayer_lowered:
.L_overlay_start_2:
0x40: {  	(tag) =	ssettag $0x2  }
0x41: {  	s0 =	rddreg [dreg:$0x0];
	s2 =	stileid.u32  }
0x42: {  	s1 =	rddreg [dreg:$0x1];
	p0 =	sne.s32 s2, $0x0  }
0x43: {  	s3 =	rddreg [dreg:$0x2];
	[bflag:$0x3] =	sbarrier.arrive $0xFFFF;
	s2 =	simm.s32 @!p0 $0x1C02  }
0x44: {  	[timem:s3], [sflag:s2] =	dma.local @!p0 [hbm:s0], s1  }
0x45: {  	s0 =	simm.s32 @!p0 $0x2  }
0x46: {  	_ =	swait.ge @!p0 [sflag:s0], s1  }
0x47: {  	s1 =	ssub.s32 @!p0 $0x0, s1;
	[sflag:s0] =	ssyncset.done @!p0 $0x0  }
0x48: {  	[sflag:s0] =	ssyncadd.s32 @!p0 s1  }
0x49: {  	[bflag:$0x3] =	sbarrier.arrive $0xFFFF  }
0x4a: {  	_ =	shalt  }

// kernel: kernel.7.cloned.1.call-start
scs
__scs_entry_jumppad:
0x0: {  	(pc) =	sbr.rel $0x88, $3  }
0x1: {  	(tag) =	ssettag $0x0;
	lr =	simm.s32 $0x1  }
0x2: {  	[smem:$0x3F93] =	sst lr;
	_ =	strace $0xD0000000  }
0x3: {  	_ = 	snop  }
0x4: {  	_ = 	snop  }
0x5: {  	_ = 	snop  }
0x6: {  	_ = 	snop  }
0x7: {  	_ = 	snop  }
__scs_overlays_trampoline_lowered:
0x8: {  	[smem:$0x3FA2] =	sst s0  }
0x9: {  	[smem:$0x3FA3] =	sst s1  }
0xa: {  	[smem:$0x3FA4] =	sst s2  }
0xb: {  	[smem:$0x3FA5] =	sst s3  }
0xc: {  	[smem:$0x3FA6] =	sst s4  }
0xd: {  	[smem:$0x3FA7] =	sst s5  }
0xe: {  	[smem:$0x3FA8] =	sst s6  }
0xf: {  	[smem:$0x3FA9] =	sst s7  }
0x10: {  	[smem:$0x3FAA] =	sst s8  }
0x11: {  	[smem:$0x3FAB] =	sst s9;
	s0 =	simm.s32 @!p0 $0x0  }
0x12: {  	s1 =	sld [smem:$0x3F91];
	s0 =	simm.s32 @p0 $0x1  }
0x13: {  	[smem:$0x3FAC] =	sst s0;
	s0 =	simm.s32 @!p1 $0x0  }
0x14: {  	s2 =	sld [smem:$0x3F90];
	s0 =	simm.s32 @p1 $0x1  }
0x15: {  	[smem:$0x3FAD] =	sst s0;
	s0 =	simm.s32 @!p2 $0x0  }
0x16: {  	s3 =	sld [smem:$0x3FDB];
	s0 =	simm.s32 @p2 $0x1  }
0x17: {  	s4 =	simm.s32 $0x1BF5;
	[smem:$0x3FAF] =	sst s0  }
0x18: {  	s0 =	sld [smem:$0x3F92];
	_ =	swait.ge [sflag:s4], $0x0  }
0x19: {  	s7 =	sld [smem:$0x3F93]  }
0x1a: {  	s8 =	sadd.s32 $0xFFFFE003, lr  }
0x1b: {  	s9 =	sadd.s32 $0xFFFFFEF7, lr;
	s5 =	simm.s32 $0xFFFFFFFF;
	p2 =	slt.u32 s8, $0xFFFFF086  }
0x1c: {  	p1 =	slt.u32 s9, $0xF7A;
	s5 =	simm.s32 @!p2 $0x0  }
0x1d: {  	s5 =	simm.s32 @p1 $0x1;
	p0 =	seq.s32 s7, s2  }
0x1e: {  	s7 =	smul.u32 @!p0 $0xF7A, s2;
	p2 =	seq.s32 @!p0 s5, $0x0  }
0x1f: {  	s9 =	smul.u32 $0xF7A, s1;
	s8 =	simm.s32 @!p0 $0x1BF5;
	p2 =	por !p2, p0  }
0x20: {  	[sflag:s8] =	ssyncset.s32 @!p0 $0xFFFFF086;
	s6 =	sadd.s32 @!p0 s3, s7;
	s7 =	simm.s32 @!p0 $0x108  }
0x21: {  	s3 =	sadd.s32 s3, s9;
	s6 =	sadd.s32 @!p0 $0x88, s6;
	s7 =	simm.s32 @p2 $0x1082  }
0x22: {  	[simem:s7], [sflag:s8] =	dma.local @!p0 [hbm:s6], $0xF7A  }
0x23: {  	s9 =	sor.u32 $0xD0000000, s2;
	s6 =	simm.s32 $0x108;
	_ =	swait.ge @!p0 [sflag:s8], $0x0  }
0x24: {  	s3 =	sadd.s32 $0x88, s3;
	s6 =	simm.s32 @!p1 $0x1082;
	[sflag:s4] =	ssyncset.s32 $0xFFFFF086  }
0x25: {  	[simem:s6], [sflag:s4] =	dma.local [hbm:s3], $0xF7A  }
0x26: {  	[smem:$0x3F93] =	sst s1;
	(tag) =	ssettag s2;
	_ =	strace s9  }
0x27: {  	s1 =	sld [smem:$0x3FA3]  }
0x28: {  	s2 =	sld [smem:$0x3FA4]  }
0x29: {  	s4 =	sld [smem:$0x3FA6]  }
0x2a: {  	p0 =	seq.s32 s5, $0x0;
	s5 =	sld [smem:$0x3FA7]  }
0x2b: {  	s6 =	sld [smem:$0x3FA8]  }
0x2c: {  	s7 =	sld [smem:$0x3FA9]  }
0x2d: {  	s3 =	simm.s32 $0x108;
	s8 =	sld [smem:$0x3FAA]  }
0x2e: {  	s3 =	simm.s32 @!p0 $0x1082;
	s9 =	sld [smem:$0x3FAB]  }
0x2f: {  	lr =	sadd.s32 s0, s3;
	s0 =	sld [smem:$0x3FA2]  }
0x30: {  	s3 =	sld [smem:$0x3FA5]  }
0x31: {  	[smem:$0x3FAE] =	sst s10  }
0x32: {  	s10 =	sld [smem:$0x3FAC];
	_ =	sdelay $0x3  }
0x33: {  	p0 =	seq.s32 s10, $0x1;
	s10 =	sld [smem:$0x3FAE];
	_ =	sdelay $0x3  }
0x34: {  	[smem:$0x3FAE] =	sst s10  }
0x35: {  	s10 =	sld [smem:$0x3FAD];
	_ =	sdelay $0x3  }
0x36: {  	p1 =	seq.s32 s10, $0x1;
	s10 =	sld [smem:$0x3FAE];
	_ =	sdelay $0x3  }
0x37: {  	[smem:$0x3FAE] =	sst s10  }
0x38: {  	s10 =	sld [smem:$0x3FAF]  }
0x39: {  	_ = 	snop;
	(pc) =	sbr.ind lr, $3  }
0x3a: {  	_ = 	snop  }
0x3b: {  	_ = 	snop  }
0x3c: {  	p2 =	seq.s32 s10, $0x1;
	s10 =	sld [smem:$0x3FAE]  }
0x3d: {  	_ =	shalt  }
0x3e: {  	_ =	shalt  }
0x3f: {  	_ =	shalt  }
0x40: {  	_ =	shalt  }
0x41: {  	_ =	shalt  }
0x42: {  	_ =	shalt  }
0x43: {  	_ =	shalt  }
0x44: {  	_ =	shalt  }
0x45: {  	_ =	shalt  }
0x46: {  	_ =	shalt  }
0x47: {  	_ =	shalt  }
0x48: {  	_ =	shalt  }
0x49: {  	_ =	shalt  }
0x4a: {  	_ =	shalt  }
0x4b: {  	_ =	shalt  }
0x4c: {  	_ =	shalt  }
0x4d: {  	_ =	shalt  }
0x4e: {  	_ =	shalt  }
0x4f: {  	_ =	shalt  }
0x50: {  	_ =	shalt  }
0x51: {  	_ =	shalt  }
0x52: {  	_ =	shalt  }
0x53: {  	_ =	shalt  }
0x54: {  	_ =	shalt  }
0x55: {  	_ =	shalt  }
0x56: {  	_ =	shalt  }
0x57: {  	_ =	shalt  }
0x58: {  	_ =	shalt  }
0x59: {  	_ =	shalt  }
0x5a: {  	_ =	shalt  }
0x5b: {  	_ =	shalt  }
0x5c: {  	_ =	shalt  }
0x5d: {  	_ =	shalt  }
0x5e: {  	_ =	shalt  }
0x5f: {  	_ =	shalt  }
0x60: {  	_ =	shalt  }
0x61: {  	_ =	shalt  }
0x62: {  	_ =	shalt  }
0x63: {  	_ =	shalt  }
0x64: {  	_ =	shalt  }
0x65: {  	_ =	shalt  }
0x66: {  	_ =	shalt  }
0x67: {  	_ =	shalt  }
0x68: {  	_ =	shalt  }
0x69: {  	_ =	shalt  }
0x6a: {  	_ =	shalt  }
0x6b: {  	_ =	shalt  }
0x6c: {  	_ =	shalt  }
0x6d: {  	_ =	shalt  }
0x6e: {  	_ =	shalt  }
0x6f: {  	_ =	shalt  }
0x70: {  	_ =	shalt  }
0x71: {  	_ =	shalt  }
0x72: {  	_ =	shalt  }
0x73: {  	_ =	shalt  }
0x74: {  	_ =	shalt  }
0x75: {  	_ =	shalt  }
0x76: {  	_ =	shalt  }
0x77: {  	_ =	shalt  }
0x78: {  	_ =	shalt  }
0x79: {  	_ =	shalt  }
0x7a: {  	_ =	shalt  }
0x7b: {  	_ =	shalt  }
0x7c: {  	_ =	shalt  }
0x7d: {  	_ =	shalt  }
0x7e: {  	_ =	shalt  }
0x7f: {  	_ =	shalt  }
0x80: {  	_ =	shalt  }
0x81: {  	_ =	shalt  }
0x82: {  	_ =	shalt  }
0x83: {  	_ =	shalt  }
0x84: {  	_ =	shalt  }
0x85: {  	_ =	shalt  }
0x86: {  	_ =	shalt  }
0x87: {  	_ =	shalt  }
.Lfunc_end0:
.L_simem_size_0:
called_computation_lowered:
.L_overlay_start_0:
0x88: {  	s2 =	sld [smem:$0x3FD9]  }
0x89: {  	s3 =	sld [smem:$0x3FFE];
	_ =	sdelay $0x1  }
0x8a: {  	s1 =	srdreg.scid  }
0x8b: {  	s0 =	sand.u32 $0x1, s1  }
0x8c: {  	s17 =	sshll.u32 s0, $0xA;
	s2 =	sadd.s32 s3, s2  }
0x8d: {  	s2 =	sadd.s32 s2, s17  }
0x8e: {  	[smem:$0x3FBA] =	sst s2  }
0x8f: {  	_ = 	snop  }
0x90: {  	s2 =	sld [smem:$0x3FD0];
	(tm) =	ssettm $0x1  }
0x91: {  	s18 =	sld [smem:$0x3FFB];
	_ =	sdelay $0x3  }
0x92: {  	_ =	strace s18  }
0x93: {  	s3 =	sld [smem:$0x3FFC];
	_ =	sdelay $0x3  }
0x94: {  	_ =	strace s3  }
0x95: {  	s3 =	sld [smem:$0x3FFD];
	_ =	sdelay $0x3  }
0x96: {  	_ =	strace s3  }
0x97: {  	_ =	strace $0x8FFFFFFF  }
0x98: {  	s19 =	sld [smem:$0x3FDB];
	_ =	sdelay $0x1  }
0x99: {  	s4 =	simm.s32 $_scs_section_size  }
0x9a: {  	s5 =	simm.s32 $_size__tile_overlayer_lowered;
	s6 =	simm.s32 $_tile_overlayer_lowered  }
0x9b: {  	s22 =	simm.s32 $0x1BFF;
	s21 =	sshll.u32 s6, $0x1;
	s3 =	sadd.s32 s4, s19  }
0x9c: {  	s7 =	simm.s32 $0x0;
	s20 =	sshll.u32 s5, $0x1;
	s5 =	sadd.s32 s21, s3  }
0x9d: {  	[timem:s7], [sflag:s22] =	dma.local [hbm:s5], s20  }
0x9e: {  	_ =	swait.ge [sflag:s22], s20  }
0x9f: {  	s4 =	ssub.s32 $0x0, s20;
	[sflag:s22] =	ssyncset.done $0x0  }
0xa0: {  	[sflag:s22] =	ssyncadd.s32 s4;
	_ =	sdelay $0x1  }
0xa1: {  	s23 =	simm.s32 $0x1B8B  }
0xa2: {  	_ =	swait.ge [sflag:s23], $0x1  }
0xa3: {  	[sflag:s23] =	ssyncset.done $0x0  }
0xa4: {  	s25 =	simm.s32 $0x1B8E;
	s24 =	sld [smem:$0x3FFE];
	[sflag:s23] =	ssyncadd.s32 $0xFFFFFFFF  }
0xa5: {  	s26 =	simm.s32 $execute0_lowered;
	[smem:$0x3FD2] =	sst s25  }
0xa6: {  	s5 =	sshll.u32 s26, $0x1;
	_ =	strace $0x80000046;
	[dreg:$0x1] =	wrdreg $0xFFFFFFFF  }
0xa7: {  	s28 =	simm.s32 $_size_execute0_lowered;
	s3 =	sadd.s32 s3, s5;
	[dreg:$0x0] =	wrdreg $0x0  }
0xa8: {  	s5 =	sshll.u32 s28, $0x1;
	[dreg:$0x2] =	wrdreg s3  }
0xa9: {  	[dreg:$0x3] =	wrdreg s5  }
0xaa: {  	[dreg:$0x4] =	wrdreg $0xC0  }
0xab: {  	_ =	task [dreg:s7], $0x5FFFF  }
0xac: {  	[dreg:$0x1] =	wrdreg $0xFFFFFFFF  }
0xad: {  	[dreg:$0x0] =	wrdreg $0x60  }
0xae: {  	[dreg:$0x2] =	wrdreg s24  }
0xaf: {  	[dreg:$0x3] =	wrdreg s2  }
0xb0: {  	[dreg:$0x4] =	wrdreg $0xA8800  }
0xb1: {  	[dreg:$0x5] =	wrdreg $0x1E8800  }
0xb2: {  	[dreg:$0x6] =	wrdreg $0x9  }
0xb3: {  	_ =	task.clear_ibuf [dreg:s7], $0x7FFFF;
	_ =	strace $0x90000046  }
0xb4: {  	s29 =	simm.s32 $0x9;
	_ =	strace $0x80000048  }
0xb5: {  	_ =	swait.ge [sflag:s29], $0x1  }
0xb6: {  	[sflag:s29] =	ssyncadd.s32 $0xFFFFFFFF  }
0xb7: {  	_ =	strace $0x90000048  }
0xb8: {  	_ =	sfence  }
0xb9: {  	s30 =	sld [smem:$0x0];
	_ =	sdelay $0x2  }
0xba: {  	s31 =	sshll.u32 s1, $0xD;
	s1 =	sshrl.u32 s1, $0x2  }
0xbb: {  	s3 =	sand.u32 $0x4000, s31;
	s1 =	sadd.s32 s1, s30  }
0xbc: {  	s0 =	sor.u32 s3, s0;
	s1 =	sshll.u32 s1, $0x11  }
0xbd: {  	s0 =	sor.u32 s1, s0  }
0xbe: {  	s0 =	sadd.s32 $0x8F2B, s0  }
0xbf: {  	[sflag:s0] =	ssyncadd.remote.s32 $0x1  }
0xc0: {  	_ =	sfence.sel $0xFFFF  }
0xc1: {  	[dreg:$0x0] =	wrdreg $0xFFFFFFFF;
	(pc) =	sbr.abs _section_cstart, $3  }
0xc2: {  	[dreg:$0x1] =	wrdreg $0xFFFFFFFF  }
0xc3: {  	_ =	task.clear_ibuf [dreg:s7], $0x2FFFF;
	_ =	strace $0x9FFFFFFF  }
0xc4: {  	(tm) =	ssettm $0x7FFFFFFF  }
0xc5: {  	_ =	shalt  }
tec
execute0_lowered:
.L_overlay_start_1:
0x0: {  	(tag) =	ssettag $0x1  }
0x1: {  	s7 =	rddreg [dreg:$0x0]  }
0x2: {  	s1 =	rddreg [dreg:$0x1]  }
0x3: {  	s3 =	rddreg [dreg:$0x2]  }
0x4: {  	s4 =	rddreg [dreg:$0x3]  }
0x5: {  	s0 =	rddreg [dreg:$0x4]  }
0x6: {  	s6 =	srdreg.scid;
	s2 =	stileid.u32  }
0x7: {  	s5 =	simm.s32 $0x0;
	s19 =	simm.s32 $0x4000;
	s20 =	simm.s32 $0x50  }
0x8: {  	s21 =	simm.s32 $0x8000;
	s22 =	simm.s32 $0x1;
	s9 =	smul.u32 $0x2800, s2  }
0x9: {  	s23 =	simm.s32 $0x0;
	s8 =	sand.u32 $0x1, s6;
	s11 =	smul.u32 $0x280, s2  }
0xa: {  	s10 =	sshll.u32 s2, $0xB;
	[smem:$0x7FF] =	sst s5;
	s15 =	smul.u32 $0x50000, s2  }
0xb: {  	s31 =	sshll.u32 s2, $0x6;
	s6 =	sshll.u32 s8, $0xF;
	s12 =	smul.u32 $0x2800, s8  }
0xc: {  	_ =	strace $0x80000047;
	s8 =	ssub.s32 $0x2, s8;
	s10 =	sor.u32 s10, s6  }
0xd: {  	s6 =	sadd.s32 $0x22600, s7;
	s9 =	sadd.s32 s9, s7;
	s26 =	sshrl.u32 s11, $0x3  }
0xe: {  	s28 =	sshrl.u32 s8, $0x1;
	s29 =	sshrl.u32 s15, $0x2;
	s18 =	sadd.s32 s11, s4  }
0xf: {  	s13 =	sadd.s32 s10, s7;
	s12 =	sadd.s32 s11, s12;
	s10 =	sadd.s32 s26, s7  }
0x10: {  	s30 =	ssub.s32 s8, s28;
	s17 =	sadd.s32 s29, s3;
	s8 =	sor.u32 $0x1C02, s31  }
0x11: {  	s14 =	sshll.u32 s12, $0x4;
	s12 =	sshrl.u32 s12, $0x3;
	s11 =	sadd.s32 $0x12600, s13  }
0x12: {  	s15 =	sshrl.u32 s17, $0x3;
	s17 =	sshrl.u32 s18, $0x3;
	s18 =	simm.s32 $0xA800  }
0x13: {  	s14 =	sadd.s32 s14, s7;
	s16 =	sadd.s32 s12, s7;
	s7 =	sadd.s32 $0x4A600, s9  }
0x14: {  	s9 =	sadd.s32 $0x72600, s10;
	s10 =	sadd.s32 $0x2600, s13;
	s12 =	sadd.s32 $0x73600, s14  }
0x15: {  	s13 =	sadd.s32 $0x72C00, s16;
	s14 =	smax.u32 s30, $0x1;
	s16 =	simm.s32 $0x2  }
.LBB2_1:
0x16: {  	[spmem:s15], [sflag:s8] =	dma.local [hbm:s7], $0x2800  }
0x17: {  	_ =	swait.ge [sflag:s16], $0x2800  }
0x18: {  	[sflag:s16] =	ssyncset.done $0x0  }
0x19: {  	[sflag:s16] =	ssyncadd.s32 $0xFFFFD800  }
0x1a: {  	[spmem:s17], [sflag:s8] =	dma.local [hbm:s9], $0x50  }
0x1b: {  	_ =	swait.ge [sflag:s16], $0x50  }
0x1c: {  	[sflag:s16] =	ssyncset.done $0x0  }
0x1d: {  	[sflag:s16] =	ssyncadd.s32 $0xFFFFFFB0  }
0x1e: {  	[tilespmem:s18], [sflag:$0x2] =	stream.linear.gather [hbm4b:s1+s5], $0x80, $0x38;
	[tilespmem:$0x1EB00] =	vst v63  }
0x1f: {  	_ =	swait.ge [sflag:s16], $0x80  }
0x20: {  	[sflag:s16] =	ssyncset.done $0x0  }
0x21: {  	[sflag:s16] =	ssyncadd.s32 $0xFFFFFF80  }
0x22: {  	[tilespmem:s5], [sflag:$0x2] =	stream.linear.gather [hbm4b:s10+s5], $0x3E80, $0x38;
	[tilespmem:$0x1EB00] =	vst v63  }
0x23: {  	_ =	swait.ge [sflag:s16], $0x3E80  }
0x24: {  	[sflag:s16] =	ssyncset.done $0x0  }
0x25: {  	[sflag:s16] =	ssyncadd.s32 $0xFFFFC180  }
0x26: {  	[tilespmem:s19], [sflag:$0x2] =	stream.linear.gather [hbm4b:s11+s5], $0x3E80, $0x38;
	[tilespmem:$0x1EB00] =	vst v63  }
0x27: {  	_ =	swait.ge [sflag:s16], $0x3E80  }
0x28: {  	[sflag:s16] =	ssyncset.done $0x0  }
0x29: {  	[sflag:s16] =	ssyncadd.s32 $0xFFFFC180  }
0x2a: {  	s24 =	simm.s32 $0x0;
	[bflag:$0x0] =	sbarrier.arrive $0xFFFF  }
0x2b: {  	[tilespmem:s21], [sflag:$0x1] =	stream.indirect.gather [hbm4b:s6+s20], $0x80, s24, s20, $0xb8;
	[tilespmem:$0x1EB00] =	vst v63  }
0x2c: {  	_ =	swait.ge [sflag:s22], $0x2800  }
0x2d: {  	[sflag:s22] =	ssyncset.done $0x0  }
0x2e: {  	s31 =	simm.s32 $0x4000;
	[sflag:s22] =	ssyncadd.s32 $0xFFFFD800  }
0x2f: {  	[spmem:s3] =	stream.indirect.scatter.add.f32 [tilespmem:s21], [sflag:$0x2], $0x80, s31, s20, $0xb8;
	[tilespmem:$0x1EB00] =	vst v63  }
0x30: {  	_ =	swait.ge [sflag:s16], $0x2800  }
0x31: {  	[sflag:s16] =	ssyncset.done $0x0  }
0x32: {  	[sflag:s16] =	ssyncadd.s32 $0xFFFFD800  }
0x33: {  	[spmem:s4] =	stream.indirect.scatter.add.f32 [tilespmem:s18], [sflag:$0x2], $0x1, s31, s20, $0xb8;
	[tilespmem:$0x1EB00] =	vst v63  }
0x34: {  	_ =	swait.ge [sflag:s16], $0x50  }
0x35: {  	s25 =	simm.s32 $0x400;
	s24 =	simm.s32 $0x200;
	[sflag:s16] =	ssyncset.done $0x0  }
.LBB2_2:
0x36: {  	s26 =	sshra.s32 s24, $0x2  }
0x37: {  	[sflag:s16] =	ssyncadd.s32 $0xFFFFFFB0;
	s24 =	smov.u32 s25;
	s28 =	sadd.s32 $0x200, s25  }
0x38: {  	[tilespmem:s21], [sflag:$0x1] =	stream.indirect.gather [hbm4b:s6+s20], $0x80, s26, s20, $0xb8;
	[tilespmem:$0x1EB00] =	vst v63  }
0x39: {  	p0 =	sne.s32 s25, $0xF800;
	_ =	swait.ge [sflag:s22], $0x2800  }
0x3a: {  	[sflag:s22] =	ssyncset.done $0x0  }
0x3b: {  	s25 =	sadd.s32 $0x4000, s26;
	[sflag:s22] =	ssyncadd.s32 $0xFFFFD800  }
0x3c: {  	[spmem:s3] =	stream.indirect.scatter.add.f32 [tilespmem:s21], [sflag:$0x2], $0x80, s25, s20, $0xb8;
	[tilespmem:$0x1EB00] =	vst v63  }
0x3d: {  	_ =	swait.ge [sflag:s16], $0x2800  }
.Ltmp0:
0x3e: {  	[sflag:s16] =	ssyncset.done $0x0;
	(pc) =	sbr.rel @p0 .LBB2_2-.Ltmp0, $4  }
0x3f: {  	[sflag:s16] =	ssyncadd.s32 $0xFFFFD800  }
0x40: {  	[spmem:s4] =	stream.indirect.scatter.add.f32 [tilespmem:s18], [sflag:$0x2], $0x1, s25, s20, $0xb8;
	[tilespmem:$0x1EB00] =	vst v63  }
0x41: {  	_ =	swait.ge [sflag:s16], $0x50  }
0x42: {  	s25 =	smov.u32 s28;
	[sflag:s16] =	ssyncset.done $0x0  }
0x43: {  	s24 =	sshra.s32 s24, $0x2;
	[sflag:s16] =	ssyncadd.s32 $0xFFFFFFB0  }
0x44: {  	[tilespmem:s21], [sflag:$0x1] =	stream.indirect.gather [hbm4b:s6+s20], $0x80, s24, s20, $0xb8;
	[tilespmem:$0x1EB00] =	vst v63  }
0x45: {  	_ =	swait.ge [sflag:s22], $0x2800  }
0x46: {  	[sflag:s22] =	ssyncset.done $0x0  }
0x47: {  	s24 =	sadd.s32 $0x4000, s24;
	[sflag:s22] =	ssyncadd.s32 $0xFFFFD800  }
0x48: {  	[spmem:s3] =	stream.indirect.scatter.add.f32 [tilespmem:s21], [sflag:$0x2], $0x80, s24, s20, $0xb8;
	[tilespmem:$0x1EB00] =	vst v63  }
0x49: {  	_ =	swait.ge [sflag:s16], $0x2800  }
0x4a: {  	[sflag:s16] =	ssyncset.done $0x0  }
0x4b: {  	[sflag:s16] =	ssyncadd.s32 $0xFFFFD800  }
0x4c: {  	[spmem:s4] =	stream.indirect.scatter.add.f32 [tilespmem:s18], [sflag:$0x2], $0x1, s24, s20, $0xb8;
	[tilespmem:$0x1EB00] =	vst v63  }
0x4d: {  	_ =	swait.ge [sflag:s16], $0x50  }
0x4e: {  	[sflag:s16] =	ssyncset.done $0x0  }
0x4f: {  	[sflag:s16] =	ssyncadd.s32 $0xFFFFFFB0  }
0x50: {  	[bflag:$0x0] =	sbarrier.arrive $0xFFFF  }
0x51: {  	[hbm:s12], [sflag:s8] =	dma.local [spmem:s15], $0x2800  }
0x52: {  	s23 =	sadd.s32 $0x1, s23;
	_ =	swait.ge [sflag:s16], $0x2800  }
0x53: {  	p0 =	sne.s32 s23, s14;
	[sflag:s16] =	ssyncset.done $0x0  }
.Ltmp1:
0x54: {  	[sflag:s16] =	ssyncadd.s32 $0xFFFFD800;
	(pc) =	sbr.rel @p0 .LBB2_1-.Ltmp1, $4  }
0x55: {  	[hbm:s13], [sflag:s8] =	dma.local [spmem:s17], $0x50  }
0x56: {  	_ =	swait.ge [sflag:s16], $0x50  }
0x57: {  	[sflag:s16] =	ssyncset.done $0x0  }
0x58: {  	[sflag:s16] =	ssyncadd.s32 $0xFFFFFFB0  }
0x59: {  	_ =	sfence.sel $0x180000  }
0x5a: {  	[bflag:$0x0] =	sbarrier.arrive $0xFFFF  }
0x5b: {  	p0 =	sne.s32 s2, $0x0;
	_ =	strace $0x90000047  }
0x5c: {  	s0 =	sadd.s32 @!p0 $0x100000, s0;
	[bflag:$0x2] =	sbarrier.arrive $0xFFFF  }
0x5d: {  	[sflag:s0] =	ssyncadd.tile.s32 @!p0 $0x1;
	_ =	shalt  }
.Lfunc_end2:
_tile_overlayer_lowered:
.L_overlay_start_2:
0x5e: {  	(tag) =	ssettag $0x2  }
0x5f: {  	s0 =	rddreg [dreg:$0x0];
	s2 =	stileid.u32  }
0x60: {  	s1 =	rddreg [dreg:$0x1];
	p0 =	sne.s32 s2, $0x0  }
0x61: {  	s3 =	rddreg [dreg:$0x2];
	[bflag:$0x3] =	sbarrier.arrive $0xFFFF;
	s2 =	simm.s32 @!p0 $0x1C02  }
0x62: {  	[timem:s3], [sflag:s2] =	dma.local @!p0 [hbm:s0], s1  }
0x63: {  	s0 =	simm.s32 @!p0 $0x2  }
0x64: {  	_ =	swait.ge @!p0 [sflag:s0], s1  }
0x65: {  	s1 =	ssub.s32 @!p0 $0x0, s1;
	[sflag:s0] =	ssyncset.done @!p0 $0x0  }
0x66: {  	[sflag:s0] =	ssyncadd.s32 @!p0 s1  }
0x67: {  	[bflag:$0x3] =	sbarrier.arrive $0xFFFF  }
0x68: {  	_ =	shalt  }

</sc_bundles>
